<compile_context>
chip_gen: v7x
topology: tpu7x:2x2x1
jax: 0.10.2.dev20260603
libtpu: 0.0.44.dev20260713+nightly
codegen_flags: <defaults>
</compile_context>

<pallas_src>
import functools

import jax
import jax.numpy as jnp
from jax import lax
from jax.experimental import pallas as pl
from jax.experimental.pallas import tpu as pltpu
from jax.experimental.pallas import tpu_sc as plsc

E = 64
K = 2
D = 768
F = 256
TB = 128
RB = 512
NW = 32


def _gate_body(x_ref, gw_ref, w_ref, i_ref):
    xb = x_ref[...]
    logits = lax.dot_general(xb, gw_ref[...], (((1,), (1,)), ((), ())),
                             preferred_element_type=jnp.float32)
    m = jnp.max(logits, axis=1, keepdims=True)
    ex = jnp.exp(logits - m)
    p = ex / jnp.sum(ex, axis=1, keepdims=True)
    lane = lax.broadcasted_iota(jnp.int32, p.shape, 1)
    w1 = jnp.max(p, axis=1, keepdims=True)
    i1 = jnp.min(jnp.where(p == w1, lane, E), axis=1, keepdims=True)
    p2 = jnp.where(lane == i1, -1.0, p)
    w2 = jnp.max(p2, axis=1, keepdims=True)
    i2 = jnp.min(jnp.where(p2 == w2, lane, E), axis=1, keepdims=True)
    lane_o = lax.broadcasted_iota(jnp.int32, (RB, 128), 1)
    w_ref[...] = jnp.where(lane_o == 0, w1, 0.0) + jnp.where(lane_o == 1, w2, 0.0)
    i_ref[...] = jnp.where(lane_o == 0, i1, 0) + jnp.where(lane_o == 1, i2, 0)


def _moe_ffn_body(be_ref, bm_ref, xs_ref, gp_ref, up_ref, dp_ref, out_ref):
    del be_ref
    nb_total = (MB * TK_BLOCKS) // TB + E

    @pl.when(bm_ref[pl.program_id(0)] < nb_total)
    def _():
        xb = xs_ref[...]
        g = jnp.dot(xb, gp_ref[0], preferred_element_type=jnp.float32)
        u = jnp.dot(xb, up_ref[0], preferred_element_type=jnp.float32)
        h = jax.nn.silu(g) * u
        out_ref[...] = jnp.dot(h, dp_ref[0], preferred_element_type=jnp.float32)


def _combine_body(w_ref, g0_ref, g1_ref, x_ref, sg_ref, su_ref, sd_ref, y_ref):
    xb = x_ref[...]
    g = jnp.dot(xb, sg_ref[...], preferred_element_type=jnp.float32)
    u = jnp.dot(xb, su_ref[...], preferred_element_type=jnp.float32)
    shared = jnp.dot(jax.nn.silu(g) * u, sd_ref[...],
                     preferred_element_type=jnp.float32)
    w = w_ref[...]
    w0 = w[:, 0:1]
    w1 = w[:, 1:2]
    y_ref[...] = w0 * g0_ref[...] + w1 * g1_ref[...] + shared


def _sc_scatter_dispatch(x, p_flat, T, NPAD):
    TK = p_flat.shape[0]
    chunk = TK // NW
    mesh = plsc.VectorSubcoreMesh(core_axis_name="c", subcore_axis_name="s")

    @functools.partial(
        pl.kernel,
        out_type=jax.ShapeDtypeStruct((NPAD, D), jnp.float32),
        mesh=mesh,
        scratch_types=[
            pltpu.VMEM((chunk,), jnp.int32),
            pltpu.VMEM((chunk, D), jnp.float32),
            pltpu.SemaphoreType.DMA,
        ],
    )
    def scatter_kernel(x_hbm, idx_hbm, out_hbm, idx_v, rows_v, sem):
        wid = lax.axis_index("s") * 2 + lax.axis_index("c")
        base = wid * chunk
        trow = lax.rem(base, T)
        pltpu.sync_copy(idx_hbm.at[pl.ds(base, chunk)], idx_v)
        pltpu.sync_copy(x_hbm.at[pl.ds(trow, chunk)], rows_v)
        pltpu.async_copy(rows_v, out_hbm.at[idx_v], sem).wait()

    return scatter_kernel(x, p_flat)


def _sc_gather(table, idx, n_rows, chunk):
    rpw = n_rows // NW
    n_ch = rpw // chunk
    mesh = plsc.VectorSubcoreMesh(core_axis_name="c", subcore_axis_name="s")

    @functools.partial(
        pl.kernel,
        out_type=jax.ShapeDtypeStruct((n_rows, D), jnp.float32),
        mesh=mesh,
        scratch_types=[
            pltpu.VMEM((chunk,), jnp.int32),
            pltpu.VMEM((chunk, D), jnp.float32),
            pltpu.SemaphoreType.DMA,
        ],
    )
    def gather_kernel(table_hbm, idx_hbm, out_hbm, idx_v, rows_v, sem):
        wid = lax.axis_index("s") * 2 + lax.axis_index("c")
        base = wid * rpw
        for c in range(n_ch):
            off = base + c * chunk
            pltpu.sync_copy(idx_hbm.at[pl.ds(off, chunk)], idx_v)
            pltpu.async_copy(table_hbm.at[idx_v], rows_v, sem).wait()
            pltpu.sync_copy(rows_v, out_hbm.at[pl.ds(off, chunk)])

    return gather_kernel(table, idx)


MB = 512
_HI = jax.lax.Precision.HIGHEST


def _meta_body(iout_ref, p_ref, be_ref, bm_ref, acc_ref, occ_ref):
    i = pl.program_id(0)

    @pl.when(i == 0)
    def _():
        acc_ref[...] = jnp.zeros_like(acc_ref)

    blk = iout_ref[...]
    k = (i // 4) % 2
    e_col = jnp.where(k == 0, blk[:, 0:1], blk[:, 1:2])
    lane_e = lax.broadcasted_iota(jnp.int32, (MB, E), 1)
    m = jnp.where(e_col == lane_e, 1.0, 0.0)
    r_io = lax.broadcasted_iota(jnp.int32, (MB, MB), 0)
    c_io = lax.broadcasted_iota(jnp.int32, (MB, MB), 1)
    tril = jnp.where(r_io > c_io, 1.0, 0.0)
    pre = jnp.dot(tril, m, preferred_element_type=jnp.float32)
    acc_col = acc_ref[...]
    occ_col = (jnp.sum(pre * m, axis=1, keepdims=True)
               + jnp.dot(m, acc_col, preferred_element_type=jnp.float32,
                         precision=_HI))

    @pl.when(i < TK_BLOCKS)
    def _():
        occ_ref[pl.ds((i % TK_BLOCKS) * MB, MB), :] = occ_col
        colsum = lax.dot_general(m, jnp.ones((MB, 1), jnp.float32),
                                 (((0,), (0,)), ((), ())),
                                 preferred_element_type=jnp.float32)
        acc_ref[...] = acc_col + colsum

    counts = acc_col
    bpe = jnp.floor((counts + (TB - 1)) / TB)
    e_r = lax.broadcasted_iota(jnp.int32, (E, E), 0)
    e_c = lax.broadcasted_iota(jnp.int32, (E, E), 1)
    ltri = jnp.where(e_r >= e_c, 1.0, 0.0)
    ident = jnp.where(e_r == e_c, 1.0, 0.0)
    cum = jnp.dot(ltri, bpe, preferred_element_type=jnp.float32)
    astart = (cum - bpe) * TB
    occ_b = occ_ref[pl.ds((i % TK_BLOCKS) * MB, MB), :]
    p_col = jnp.dot(m, astart, preferred_element_type=jnp.float32) + occ_b
    p_ref[...] = p_col.astype(jnp.int32)
    cum_row = lax.dot_general(cum, ident, (((0,), (0,)), ((), ())),
                              preferred_element_type=jnp.float32)
    b_col = lax.broadcasted_iota(jnp.int32, (128, 1), 0).astype(jnp.float32)
    be_col = jnp.clip(jnp.sum(jnp.where(cum_row <= b_col, 1.0, 0.0),
                              axis=1, keepdims=True), 0, E - 1)
    be_ref[...] = be_col.astype(jnp.int32)
    nb_used = cum[E - 1:E, 0:1]
    nb_total = (MB * TK_BLOCKS) // TB + E
    bm_col = jnp.where(b_col < nb_used, b_col, float(nb_total))
    bm_ref[...] = bm_col.astype(jnp.int32)


TK_BLOCKS = 8


def kernel(hidden_states, gate_weight, gate_proj, up_proj, down_proj,
           shared_gate, shared_up, shared_down):
    orig_shape = hidden_states.shape
    x = hidden_states.reshape(-1, D)
    T = x.shape[0]
    TK = T * K
    NB = TK // TB + E
    NPAD = NB * TB

    w_out, i_out = pl.pallas_call(
        _gate_body,
        grid=(T // RB,),
        in_specs=[
            pl.BlockSpec((RB, D), lambda i: (i, 0)),
            pl.BlockSpec((E, D), lambda i: (0, 0)),
        ],
        out_specs=[
            pl.BlockSpec((RB, 128), lambda i: (i, 0)),
            pl.BlockSpec((RB, 128), lambda i: (i, 0)),
        ],
        out_shape=[
            jax.ShapeDtypeStruct((T, 128), jnp.float32),
            jax.ShapeDtypeStruct((T, 128), jnp.int32),
        ],
    )(x, gate_weight)

    p_2d, be_2d, bm_2d = pl.pallas_call(
        _meta_body,
        grid=(2 * TK_BLOCKS,),
        in_specs=[pl.BlockSpec((MB, 128), lambda i: (i % (T // MB), 0))],
        out_specs=[
            pl.BlockSpec((MB, 1), lambda i: (i % TK_BLOCKS, 0)),
            pl.BlockSpec((128, 1), lambda i: (0, 0)),
            pl.BlockSpec((128, 1), lambda i: (0, 0)),
        ],
        out_shape=[
            jax.ShapeDtypeStruct((TK, 1), jnp.int32),
            jax.ShapeDtypeStruct((128, 1), jnp.int32),
            jax.ShapeDtypeStruct((128, 1), jnp.int32),
        ],
        scratch_shapes=[
            pltpu.VMEM((E, 1), jnp.float32),
            pltpu.VMEM((TK, 1), jnp.float32),
        ],
    )(i_out)
    p_flat = p_2d.reshape(TK)
    block_expert = be_2d.reshape(128)
    block_map = bm_2d.reshape(128)
    NPAD_EXT = NPAD + TB

    xs = _sc_scatter_dispatch(x, p_flat, T, NPAD_EXT)

    out_moe = pl.pallas_call(
        _moe_ffn_body,
        grid_spec=pltpu.PrefetchScalarGridSpec(
            num_scalar_prefetch=2,
            grid=(NB,),
            in_specs=[
                pl.BlockSpec((TB, D), lambda i, be, bm: (bm[i], 0)),
                pl.BlockSpec((1, D, F), lambda i, be, bm: (be[i], 0, 0)),
                pl.BlockSpec((1, D, F), lambda i, be, bm: (be[i], 0, 0)),
                pl.BlockSpec((1, F, D), lambda i, be, bm: (be[i], 0, 0)),
            ],
            out_specs=pl.BlockSpec((TB, D), lambda i, be, bm: (bm[i], 0)),
        ),
        out_shape=jax.ShapeDtypeStruct((NPAD_EXT, D), jnp.float32),
    )(block_expert, block_map, xs, gate_proj, up_proj, down_proj)

    g = _sc_gather(out_moe, p_flat, TK, 128)

    y = pl.pallas_call(
        _combine_body,
        grid=(T // RB,),
        in_specs=[
            pl.BlockSpec((RB, 128), lambda i: (i, 0)),
            pl.BlockSpec((RB, D), lambda i: (i, 0)),
            pl.BlockSpec((RB, D), lambda i: (T // RB + i, 0)),
            pl.BlockSpec((RB, D), lambda i: (i, 0)),
            pl.BlockSpec((D, F), lambda i: (0, 0)),
            pl.BlockSpec((D, F), lambda i: (0, 0)),
            pl.BlockSpec((F, D), lambda i: (0, 0)),
        ],
        out_specs=pl.BlockSpec((RB, D), lambda i: (i, 0)),
        out_shape=jax.ShapeDtypeStruct((T, D), jnp.float32),
    )(w_out, g, g, x, shared_gate, shared_up, shared_down)

    return y.reshape(orig_shape)

# --- scband reference (transcript-rebuilt; emitter-appended) ---
"""Pipeline reference for scband-sigma-mo-e-acce-57054345560722 (READ-ONLY COPY).

The authoritative reference and input builder live on the scoring server;
editing this copy changes nothing except your own understanding.
"""

import jax, jax.numpy as jnp
import numpy as np

E = 64
K = 2
D = 768
F = 256
B = 1
S = 2048


def setup_inputs(seed: int = 0) -> dict:
    key = jax.random.key(seed)
    ks = jax.random.split(key, 8)
    return {
        "hidden_states": jax.random.normal(ks[0], (B, S, D), dtype=jnp.float32),
        "gate_weight": jax.random.normal(ks[1], (E, D), dtype=jnp.float32) * 0.02,
        "gate_proj": jax.random.normal(ks[2], (E, D, F), dtype=jnp.float32) * 0.02,
        "up_proj": jax.random.normal(ks[3], (E, D, F), dtype=jnp.float32) * 0.02,
        "down_proj": jax.random.normal(ks[4], (E, F, D), dtype=jnp.float32) * 0.02,
        "shared_gate": jax.random.normal(ks[5], (D, F), dtype=jnp.float32) * 0.02,
        "shared_up": jax.random.normal(ks[6], (D, F), dtype=jnp.float32) * 0.02,
        "shared_down": jax.random.normal(ks[7], (F, D), dtype=jnp.float32) * 0.02,
    }


def reference(hidden_states, gate_weight, gate_proj, up_proj, down_proj, shared_gate, shared_up, shared_down):
    orig_shape = hidden_states.shape
    x = hidden_states.reshape(-1, D)
    T = x.shape[0]
    # --- MoEGate: softmax scores + greedy top-k ---
    logits = x @ gate_weight.T
    scores = jax.nn.softmax(logits, axis=-1)
    topk_weight, topk_idx = jax.lax.top_k(scores, K)
    flat_idx = topk_idx.reshape(-1)
    # --- training-path dispatch: sort tokens by expert, pad to max count ---
    sorted_order = jnp.argsort(flat_idx)
    sorted_expert = flat_idx[sorted_order]
    counts = jnp.bincount(flat_idx, length=E)
    max_len = x.shape[0]  # top-k indices are distinct per token, so counts.max() <= T
    starts = jnp.concatenate([jnp.zeros((1,), dtype=counts.dtype), jnp.cumsum(counts)[:-1]])
    pos = jnp.arange(T * K) - starts[sorted_expert]
    dest = sorted_expert * max_len + pos
    x_rep = jnp.repeat(x, K, axis=0)  # repeat_interleave(K, dim=0)
    xs = x_rep[sorted_order]
    padded = jnp.zeros((E * max_len, D), dtype=x.dtype).at[dest].set(xs)
    pe = padded.reshape(E, max_len, D)
    # --- FusedSigmaMLP: batched gated MLP over experts ---
    h = jax.nn.silu(jnp.matmul(pe, gate_proj)) * jnp.matmul(pe, up_proj)
    out = jnp.matmul(h, down_proj)
    valid_sorted = out.reshape(E * max_len, D)[dest]
    # --- scatter back (sorted_order is a permutation, scatter_add into zeros == set) ---
    y_flat = jnp.zeros((T * K, D), dtype=x.dtype).at[sorted_order].set(valid_sorted)
    y = (y_flat.reshape(T, K, D) * topk_weight.reshape(T, K, 1)).sum(axis=1)
    # --- shared experts (SigmaMLP, intermediate = moe_intermediate_size * n_shared_experts) ---
    shared = jnp.matmul(jax.nn.silu(x @ shared_gate) * (x @ shared_up), shared_down)
    y = y + shared
    return y.reshape(orig_shape)

if __name__ == "__main__":
    import jax
    _d = setup_inputs()
    print(jax.jit(kernel)(*tuple(_d.values())))

</pallas_src>

<mosaic_0001>
#map = affine_map<(d0, d1) -> (0, 0)>
#map1 = affine_map<(d0, d1) -> (0)>
module attributes {stable_mosaic.version = 14 : i64} {
  func.func @gather_kernel(%arg0: i32, %arg1: i32, %arg2: memref<12416x768xf32, #tpu.memory_space<hbm>>, %arg3: memref<4096xi32, #tpu.memory_space<hbm>>, %arg4: memref<4096x768xf32, #tpu.memory_space<hbm>>, %arg5: memref<128xi32, #tpu.memory_space<vmem>>, %arg6: memref<128x768xf32, #tpu.memory_space<vmem>>, %arg7: memref<!tpu.dma_semaphore, #tpu.memory_space<semaphore_mem>>) attributes {dimension_semantics = [#tpu.dimension_semantics<core_parallel>, #tpu.dimension_semantics<subcore_parallel>], iteration_bounds = array<i64: 2, 16>, scalar_prefetch = 0 : i64, scratch_operands = 3 : i64, tpu.core_type = #tpu.core_type<sc_vector_subcore>, window_params = [{transform_indices = #map}, {transform_indices = #map1}, {transform_indices = #map}]} {
    %mul3A = arith.constant 2 : i32
    %mul3A_0 = arith.muli %arg1, %mul3A : i32
    %add3A = arith.addi %mul3A_0, %arg0 : i32
    %mul3A_1 = arith.constant 128 : i32
    %mul3A_2 = arith.muli %add3A, %mul3A_1 : i32
    %add3A_3 = arith.constant 0 : i32
    %add3A_4 = arith.addi %mul3A_2, %add3A_3 : i32
    "tpu.region"() ({
      %run_scoped3A = tpu.sem_alloc : memref<!tpu.dma_semaphore, #tpu.memory_space<semaphore_mem>>
      %dma_start3A_9 = tpu.memref_slice %arg3[%add3A_4] : memref<4096xi32, #tpu.memory_space<hbm>> -> memref<128xi32, #tpu.memory_space<hbm>>
      %dma_start3A_10 = tpu.memref_slice %arg3[%add3A_4] : memref<4096xi32, #tpu.memory_space<hbm>> -> memref<128xi32, #tpu.memory_space<hbm>>
      tpu.enqueue_dma source(%dma_start3A_10 : memref<128xi32, #tpu.memory_space<hbm>>) target(%arg5 : memref<128xi32, #tpu.memory_space<vmem>>) target_semaphore(%run_scoped3A : memref<!tpu.dma_semaphore, #tpu.memory_space<semaphore_mem>>)
      %dma_wait3A_11 = tpu.memref_slice %arg3[%add3A_4] : memref<4096xi32, #tpu.memory_space<hbm>> -> memref<128xi32, #tpu.memory_space<hbm>>
      %dma_wait3A_12 = tpu.memref_slice %arg3[%add3A_4] : memref<4096xi32, #tpu.memory_space<hbm>> -> memref<128xi32, #tpu.memory_space<hbm>>
      tpu.wait_dma2 semaphore(%run_scoped3A : memref<!tpu.dma_semaphore, #tpu.memory_space<semaphore_mem>>) src(%dma_wait3A_12 : memref<128xi32, #tpu.memory_space<hbm>>) dst(%arg5 : memref<128xi32, #tpu.memory_space<vmem>>)
      tpu.yield
    }) : () -> ()
    %dma_start3A = arith.constant 0 : i32
    %dma_start3A_5 = arith.constant 0 : i32
    %dma_start3A_6 = tpu.memref_slice %arg2[%dma_start3A, %dma_start3A_5] : memref<12416x768xf32, #tpu.memory_space<hbm>> -> memref<12416x768xf32, #tpu.memory_space<hbm>>
    tpu.enqueue_indirect_dma source(%dma_start3A_6 : memref<12416x768xf32, #tpu.memory_space<hbm>>) target(%arg6 : memref<128x768xf32, #tpu.memory_space<vmem>>) offsets(%arg5 : memref<128xi32, #tpu.memory_space<vmem>>) semaphore(%arg7 : memref<!tpu.dma_semaphore, #tpu.memory_space<semaphore_mem>>)
    %dma_wait3A = arith.constant 0 : i32
    %dma_wait3A_7 = arith.constant 0 : i32
    %dma_wait3A_8 = tpu.memref_slice %arg2[%dma_wait3A, %dma_wait3A_7] : memref<12416x768xf32, #tpu.memory_space<hbm>> -> memref<12416x768xf32, #tpu.memory_space<hbm>>
    tpu.wait_indirect_dma semaphore(%arg7 : memref<!tpu.dma_semaphore, #tpu.memory_space<semaphore_mem>>) src(%dma_wait3A_8 : memref<12416x768xf32, #tpu.memory_space<hbm>>) dst(%arg6 : memref<128x768xf32, #tpu.memory_space<vmem>>)
    "tpu.region"() ({
      %run_scoped3A = tpu.sem_alloc : memref<!tpu.dma_semaphore, #tpu.memory_space<semaphore_mem>>
      %dma_start3A_9 = arith.constant 0 : i32
      %dma_start3A_10 = tpu.memref_slice %arg4[%add3A_4, %dma_start3A_9] : memref<4096x768xf32, #tpu.memory_space<hbm>> -> memref<128x768xf32, #tpu.memory_space<hbm>>
      %dma_start3A_11 = arith.constant 0 : i32
      %dma_start3A_12 = tpu.memref_slice %arg4[%add3A_4, %dma_start3A_11] : memref<4096x768xf32, #tpu.memory_space<hbm>> -> memref<128x768xf32, #tpu.memory_space<hbm>>
      tpu.enqueue_dma source(%arg6 : memref<128x768xf32, #tpu.memory_space<vmem>>) target(%dma_start3A_12 : memref<128x768xf32, #tpu.memory_space<hbm>>) target_semaphore(%run_scoped3A : memref<!tpu.dma_semaphore, #tpu.memory_space<semaphore_mem>>)
      %dma_wait3A_13 = arith.constant 0 : i32
      %dma_wait3A_14 = tpu.memref_slice %arg4[%add3A_4, %dma_wait3A_13] : memref<4096x768xf32, #tpu.memory_space<hbm>> -> memref<128x768xf32, #tpu.memory_space<hbm>>
      %dma_wait3A_15 = arith.constant 0 : i32
      %dma_wait3A_16 = tpu.memref_slice %arg4[%add3A_4, %dma_wait3A_15] : memref<4096x768xf32, #tpu.memory_space<hbm>> -> memref<128x768xf32, #tpu.memory_space<hbm>>
      tpu.wait_dma2 semaphore(%run_scoped3A : memref<!tpu.dma_semaphore, #tpu.memory_space<semaphore_mem>>) src(%arg6 : memref<128x768xf32, #tpu.memory_space<vmem>>) dst(%dma_wait3A_16 : memref<128x768xf32, #tpu.memory_space<hbm>>)
      tpu.yield
    }) : () -> ()
    return
  }
}

#map = affine_map<(d0, d1) -> (0, 0)>
#map1 = affine_map<(d0, d1) -> (0)>
module attributes {stable_mosaic.version = 14 : i64} {
  func.func @scatter_kernel(%arg0: i32, %arg1: i32, %arg2: memref<2048x768xf32, #tpu.memory_space<hbm>>, %arg3: memref<4096xi32, #tpu.memory_space<hbm>>, %arg4: memref<12416x768xf32, #tpu.memory_space<hbm>>, %arg5: memref<128xi32, #tpu.memory_space<vmem>>, %arg6: memref<128x768xf32, #tpu.memory_space<vmem>>, %arg7: memref<!tpu.dma_semaphore, #tpu.memory_space<semaphore_mem>>) attributes {dimension_semantics = [#tpu.dimension_semantics<core_parallel>, #tpu.dimension_semantics<subcore_parallel>], iteration_bounds = array<i64: 2, 16>, scalar_prefetch = 0 : i64, scratch_operands = 3 : i64, tpu.core_type = #tpu.core_type<sc_vector_subcore>, window_params = [{transform_indices = #map}, {transform_indices = #map1}, {transform_indices = #map}]} {
    %mul3A = arith.constant 2 : i32
    %mul3A_0 = arith.muli %arg1, %mul3A : i32
    %add3A = arith.addi %mul3A_0, %arg0 : i32
    %mul3A_1 = arith.constant 128 : i32
    %mul3A_2 = arith.muli %add3A, %mul3A_1 : i32
    %rem3A = arith.constant 2048 : i32
    %rem3A_3 = arith.remsi %mul3A_2, %rem3A : i32
    "tpu.region"() ({
      %run_scoped3A = tpu.sem_alloc : memref<!tpu.dma_semaphore, #tpu.memory_space<semaphore_mem>>
      %dma_start3A_8 = tpu.memref_slice %arg3[%mul3A_2] : memref<4096xi32, #tpu.memory_space<hbm>> -> memref<128xi32, #tpu.memory_space<hbm>>
      %dma_start3A_9 = tpu.memref_slice %arg3[%mul3A_2] : memref<4096xi32, #tpu.memory_space<hbm>> -> memref<128xi32, #tpu.memory_space<hbm>>
      tpu.enqueue_dma source(%dma_start3A_9 : memref<128xi32, #tpu.memory_space<hbm>>) target(%arg5 : memref<128xi32, #tpu.memory_space<vmem>>) target_semaphore(%run_scoped3A : memref<!tpu.dma_semaphore, #tpu.memory_space<semaphore_mem>>)
      %dma_wait3A_10 = tpu.memref_slice %arg3[%mul3A_2] : memref<4096xi32, #tpu.memory_space<hbm>> -> memref<128xi32, #tpu.memory_space<hbm>>
      %dma_wait3A_11 = tpu.memref_slice %arg3[%mul3A_2] : memref<4096xi32, #tpu.memory_space<hbm>> -> memref<128xi32, #tpu.memory_space<hbm>>
      tpu.wait_dma2 semaphore(%run_scoped3A : memref<!tpu.dma_semaphore, #tpu.memory_space<semaphore_mem>>) src(%dma_wait3A_11 : memref<128xi32, #tpu.memory_space<hbm>>) dst(%arg5 : memref<128xi32, #tpu.memory_space<vmem>>)
      tpu.yield
    }) : () -> ()
    "tpu.region"() ({
      %run_scoped3A = tpu.sem_alloc : memref<!tpu.dma_semaphore, #tpu.memory_space<semaphore_mem>>
      %dma_start3A_8 = arith.constant 0 : i32
      %dma_start3A_9 = tpu.memref_slice %arg2[%rem3A_3, %dma_start3A_8] : memref<2048x768xf32, #tpu.memory_space<hbm>> -> memref<128x768xf32, #tpu.memory_space<hbm>>
      %dma_start3A_10 = arith.constant 0 : i32
      %dma_start3A_11 = tpu.memref_slice %arg2[%rem3A_3, %dma_start3A_10] : memref<2048x768xf32, #tpu.memory_space<hbm>> -> memref<128x768xf32, #tpu.memory_space<hbm>>
      tpu.enqueue_dma source(%dma_start3A_11 : memref<128x768xf32, #tpu.memory_space<hbm>>) target(%arg6 : memref<128x768xf32, #tpu.memory_space<vmem>>) target_semaphore(%run_scoped3A : memref<!tpu.dma_semaphore, #tpu.memory_space<semaphore_mem>>)
      %dma_wait3A_12 = arith.constant 0 : i32
      %dma_wait3A_13 = tpu.memref_slice %arg2[%rem3A_3, %dma_wait3A_12] : memref<2048x768xf32, #tpu.memory_space<hbm>> -> memref<128x768xf32, #tpu.memory_space<hbm>>
      %dma_wait3A_14 = arith.constant 0 : i32
      %dma_wait3A_15 = tpu.memref_slice %arg2[%rem3A_3, %dma_wait3A_14] : memref<2048x768xf32, #tpu.memory_space<hbm>> -> memref<128x768xf32, #tpu.memory_space<hbm>>
      tpu.wait_dma2 semaphore(%run_scoped3A : memref<!tpu.dma_semaphore, #tpu.memory_space<semaphore_mem>>) src(%dma_wait3A_15 : memref<128x768xf32, #tpu.memory_space<hbm>>) dst(%arg6 : memref<128x768xf32, #tpu.memory_space<vmem>>)
      tpu.yield
    }) : () -> ()
    %dma_start3A = arith.constant 0 : i32
    %dma_start3A_4 = arith.constant 0 : i32
    %dma_start3A_5 = tpu.memref_slice %arg4[%dma_start3A, %dma_start3A_4] : memref<12416x768xf32, #tpu.memory_space<hbm>> -> memref<12416x768xf32, #tpu.memory_space<hbm>>
    tpu.enqueue_indirect_dma source(%arg6 : memref<128x768xf32, #tpu.memory_space<vmem>>) target(%dma_start3A_5 : memref<12416x768xf32, #tpu.memory_space<hbm>>) offsets(%arg5 : memref<128xi32, #tpu.memory_space<vmem>>) semaphore(%arg7 : memref<!tpu.dma_semaphore, #tpu.memory_space<semaphore_mem>>)
    %dma_wait3A = arith.constant 0 : i32
    %dma_wait3A_6 = arith.constant 0 : i32
    %dma_wait3A_7 = tpu.memref_slice %arg4[%dma_wait3A, %dma_wait3A_6] : memref<12416x768xf32, #tpu.memory_space<hbm>> -> memref<12416x768xf32, #tpu.memory_space<hbm>>
    tpu.wait_indirect_dma semaphore(%arg7 : memref<!tpu.dma_semaphore, #tpu.memory_space<semaphore_mem>>) src(%arg6 : memref<128x768xf32, #tpu.memory_space<vmem>>) dst(%dma_wait3A_7 : memref<12416x768xf32, #tpu.memory_space<hbm>>)
    return
  }
}

module attributes {stable_mosaic.version = 14 : i64} {
  func.func @_meta_body(%arg0: i32, %arg1: memref<512x128xi32, #tpu.memory_space<vmem>>, %arg2: memref<512x1xi32, #tpu.memory_space<vmem>>, %arg3: memref<128x1xi32, #tpu.memory_space<vmem>>, %arg4: memref<128x1xi32, #tpu.memory_space<vmem>>, %arg5: memref<64x1xf32, #tpu.memory_space<vmem>>, %arg6: memref<4096x1xf32, #tpu.memory_space<vmem>>) attributes {dimension_semantics = [#tpu.dimension_semantics<arbitrary>], iteration_bounds = array<i64: 16>, scalar_prefetch = 0 : i64, scratch_operands = 2 : i64, tpu.core_type = #tpu.core_type<tc>, window_params = [{transform_indices = @transform_0, window_bounds = array<i64: 512, 128>}, {transform_indices = @transform_1, window_bounds = array<i64: 512, 1>}, {pipeline_mode = #tpu.pipeline_mode<synchronous>, transform_indices = @transform_2, window_bounds = array<i64: 128, 1>}, {pipeline_mode = #tpu.pipeline_mode<synchronous>, transform_indices = @transform_3, window_bounds = array<i64: 128, 1>}]} {
    %eq3A = arith.constant 0 : i32
    %eq3A_0 = arith.cmpi eq, %arg0, %eq3A : i32
    %convert_element_type3A = arith.extui %eq3A_0 : i1 to i32
    %cond3A = arith.constant 0 : i32
    %cond3A_1 = arith.cmpi ne, %convert_element_type3A, %cond3A : i32
    scf.if %cond3A_1 {
      %broadcast_in_dim3A_151 = arith.constant 0.000000e+00 : f32
      %broadcast_in_dim3A_152 = vector.broadcast %broadcast_in_dim3A_151 : f32 to vector<64x1xf32>
      %swap3A_153 = arith.constant 0 : index
      %swap3A_154 = arith.constant 0 : index
      %swap3A_155 = vector.load %arg5[%swap3A_153, %swap3A_154] : memref<64x1xf32, #tpu.memory_space<vmem>>, vector<64x1xf32>
      tpu.vector_store %arg5[%swap3A_153, %swap3A_154], %broadcast_in_dim3A_152 {strides = array<i32>} : memref<64x1xf32, #tpu.memory_space<vmem>>, vector<64x1xf32>,
    } else {
    }
    %get3A = arith.constant 0 : index
    %get3A_2 = arith.constant 0 : index
    %get3A_3 = vector.load %arg1[%get3A, %get3A_2] : memref<512x128xi32, #tpu.memory_space<vmem>>, vector<512x128xi32>
    %jit3A = arith.constant 4 : i32
    %div3A = arith.divsi %arg0, %jit3A : i32
    %sign3A = arith.constant 0 : i32
    %sign3A_4 = arith.cmpi sgt, %arg0, %sign3A : i32
    %sign3A_5 = arith.extui %sign3A_4 : i1 to i32
    %sign3A_6 = arith.constant 0 : i32
    %sign3A_7 = arith.cmpi slt, %arg0, %sign3A_6 : i32
    %sign3A_8 = arith.extui %sign3A_7 : i1 to i32
    %sign3A_9 = arith.subi %sign3A_5, %sign3A_8 : i32
    %sign3A_10 = arith.constant 0 : i32
    %sign3A_11 = arith.cmpi sgt, %jit3A, %sign3A_10 : i32
    %sign3A_12 = arith.extui %sign3A_11 : i1 to i32
    %sign3A_13 = arith.constant 0 : i32
    %sign3A_14 = arith.cmpi slt, %jit3A, %sign3A_13 : i32
    %sign3A_15 = arith.extui %sign3A_14 : i1 to i32
    %sign3A_16 = arith.subi %sign3A_12, %sign3A_15 : i32
    %ne3A = arith.cmpi ne, %sign3A_9, %sign3A_16 : i32
    %rem3A = arith.remsi %arg0, %jit3A : i32
    %ne3A_17 = arith.constant 0 : i32
    %ne3A_18 = arith.cmpi ne, %rem3A, %ne3A_17 : i32
    %and3A = arith.andi %ne3A, %ne3A_18 : i1
    %sub3A = arith.constant 1 : i32
    %sub3A_19 = arith.subi %div3A, %sub3A : i32
    %select_n3A = arith.select %and3A, %sub3A_19, %div3A : i32
    %jit3A_20 = arith.constant 2 : i32
    %eq3A_21 = arith.constant 0 : i32
    %eq3A_22 = arith.cmpi eq, %jit3A_20, %eq3A_21 : i32
    %jit3A_23 = arith.constant 1 : i32
    %select_n3A_24 = arith.select %eq3A_22, %jit3A_23, %jit3A_20 : i32
    %rem3A_25 = arith.remsi %select_n3A, %select_n3A_24 : i32
    %ne3A_26 = arith.constant 0 : i32
    %ne3A_27 = arith.cmpi ne, %rem3A_25, %ne3A_26 : i32
    %lt3A = arith.constant 0 : i32
    %lt3A_28 = arith.cmpi slt, %rem3A_25, %lt3A : i32
    %lt3A_29 = arith.constant 0 : i32
    %lt3A_30 = arith.cmpi slt, %select_n3A_24, %lt3A_29 : i32
    %ne3A_31 = arith.xori %lt3A_28, %lt3A_30 : i1
    %and3A_32 = arith.andi %ne3A_31, %ne3A_27 : i1
    %add3A = arith.addi %rem3A_25, %select_n3A_24 : i32
    %select_n3A_33 = arith.select %and3A_32, %add3A, %rem3A_25 : i32
    %eq3A_34 = arith.constant 0 : i32
    %eq3A_35 = arith.cmpi eq, %select_n3A_33, %eq3A_34 : i32
    %slice3A = vector.extract_strided_slice %get3A_3 {offsets = [0, 0], sizes = [512, 1], strides = [1, 1]} : vector<512x128xi32> to vector<512x1xi32>
    %slice3A_36 = vector.extract_strided_slice %get3A_3 {offsets = [0, 1], sizes = [512, 1], strides = [1, 1]} : vector<512x128xi32> to vector<512x1xi32>
    %select_n3A_37 = arith.select %eq3A_35, %slice3A, %slice3A_36 : vector<512x1xi32>
    %iota3A = tpu.iota {dimensions = array<i32: 1>} : vector<512x64xi32>
    %eq3A_38 = vector.broadcast %select_n3A_37 : vector<512x1xi32> to vector<512x64xi32>
    %eq3A_39 = arith.cmpi eq, %eq3A_38, %iota3A : vector<512x64xi32>
    %jit3A_40 = arith.constant 1.000000e+00 : f32
    %jit3A_41 = arith.constant 0.000000e+00 : f32
    %broadcast_in_dim3A = vector.broadcast %jit3A_40 : f32 to vector<512x64xf32>
    %broadcast_in_dim3A_42 = vector.broadcast %jit3A_41 : f32 to vector<512x64xf32>
    %select_n3A_43 = arith.select %eq3A_39, %broadcast_in_dim3A, %broadcast_in_dim3A_42 : vector<512x64xi1>, vector<512x64xf32>
    %iota3A_44 = tpu.iota {dimensions = array<i32: 0>} : vector<512x512xi32>
    %iota3A_45 = tpu.iota {dimensions = array<i32: 1>} : vector<512x512xi32>
    %gt3A = arith.cmpi sgt, %iota3A_44, %iota3A_45 : vector<512x512xi32>
    %jit3A_46 = arith.constant 1.000000e+00 : f32
    %jit3A_47 = arith.constant 0.000000e+00 : f32
    %broadcast_in_dim3A_48 = vector.broadcast %jit3A_46 : f32 to vector<512x512xf32>
    %broadcast_in_dim3A_49 = vector.broadcast %jit3A_47 : f32 to vector<512x512xf32>
    %select_n3A_50 = arith.select %gt3A, %broadcast_in_dim3A_48, %broadcast_in_dim3A_49 : vector<512x512xi1>, vector<512x512xf32>
    %dot_general3A = arith.constant dense<0.000000e+00> : vector<512x64xf32>
    %dot_general3A_51 = tpu.matmul %select_n3A_50, %select_n3A_43, %dot_general3A {dimension_numbers = #tpu.dot_dimension_numbers<[1], [0], [0], [1], [0, 0, 1, 1], [], []>, transpose_lhs_hint = false} : vector<512x512xf32>, vector<512x64xf32>, vector<512x64xf32> -> vector<512x64xf32>
    %get3A_52 = arith.constant 0 : index
    %get3A_53 = arith.constant 0 : index
    %get3A_54 = vector.load %arg5[%get3A_52, %get3A_53] : memref<64x1xf32, #tpu.memory_space<vmem>>, vector<64x1xf32>
    %mul3A = arith.mulf %dot_general3A_51, %select_n3A_43 : vector<512x64xf32>
    %reduce_sum3A = arith.constant dense<0.000000e+00> : vector<512xf32>
    %reduce_sum3A_55 = vector.multi_reduction <add>, %mul3A, %reduce_sum3A [1] : vector<512x64xf32> to vector<512xf32>
    %broadcast_in_dim3A_56 = vector.shape_cast %reduce_sum3A_55 : vector<512xf32> to vector<512x1xf32>
    %dot_general3A_57 = arith.constant dense<0.000000e+00> : vector<512x1xf32>
    %dot_general3A_58 = tpu.matmul %select_n3A_43, %get3A_54, %dot_general3A_57 {dimension_numbers = #tpu.dot_dimension_numbers<[1], [0], [0], [1], [0, 0, 1, 1], [], []>, precision = #tpu.contract_precision<fp32>, transpose_lhs_hint = false} : vector<512x64xf32>, vector<64x1xf32>, vector<512x1xf32> -> vector<512x1xf32>
    %add3A_59 = arith.addf %broadcast_in_dim3A_56, %dot_general3A_58 : vector<512x1xf32>
    %lt3A_60 = arith.constant 8 : i32
    %lt3A_61 = arith.cmpi slt, %arg0, %lt3A_60 : i32
    %convert_element_type3A_62 = arith.extui %lt3A_61 : i1 to i32
    %cond3A_63 = arith.constant 0 : i32
    %cond3A_64 = arith.cmpi ne, %convert_element_type3A_62, %cond3A_63 : i32
    scf.if %cond3A_64 {
      %jit3A_151 = arith.constant 8 : i32
      %eq3A_152 = arith.constant 0 : i32
      %eq3A_153 = arith.cmpi eq, %jit3A_151, %eq3A_152 : i32
      %jit3A_154 = arith.constant 1 : i32
      %select_n3A_155 = arith.select %eq3A_153, %jit3A_154, %jit3A_151 : i32
      %rem3A_156 = arith.remsi %arg0, %select_n3A_155 : i32
      %ne3A_157 = arith.constant 0 : i32
      %ne3A_158 = arith.cmpi ne, %rem3A_156, %ne3A_157 : i32
      %lt3A_159 = arith.constant 0 : i32
      %lt3A_160 = arith.cmpi slt, %rem3A_156, %lt3A_159 : i32
      %lt3A_161 = arith.constant 0 : i32
      %lt3A_162 = arith.cmpi slt, %select_n3A_155, %lt3A_161 : i32
      %ne3A_163 = arith.xori %lt3A_160, %lt3A_162 : i1
      %and3A_164 = arith.andi %ne3A_163, %ne3A_158 : i1
      %add3A_165 = arith.addi %rem3A_156, %select_n3A_155 : i32
      %select_n3A_166 = arith.select %and3A_164, %add3A_165, %rem3A_156 : i32
      %mul3A_167 = arith.constant 512 : i32
      %mul3A_168 = arith.muli %select_n3A_166, %mul3A_167 : i32
      %swap3A_169 = arith.index_cast %mul3A_168 : i32 to index
      %swap3A_170 = arith.constant 0 : index
      %swap3A_171 = vector.load %arg6[%swap3A_169, %swap3A_170] : memref<4096x1xf32, #tpu.memory_space<vmem>>, vector<512x1xf32>
      tpu.vector_store %arg6[%swap3A_169, %swap3A_170], %add3A_59 {strides = array<i32>} : memref<4096x1xf32, #tpu.memory_space<vmem>>, vector<512x1xf32>,
      %broadcast_in_dim3A_172 = arith.constant 1.000000e+00 : f32
      %broadcast_in_dim3A_173 = vector.broadcast %broadcast_in_dim3A_172 : f32 to vector<512x1xf32>
      %dot_general3A_174 = arith.constant dense<0.000000e+00> : vector<64x1xf32>
      %dot_general3A_175 = tpu.matmul %select_n3A_43, %broadcast_in_dim3A_173, %dot_general3A_174 {dimension_numbers = #tpu.dot_dimension_numbers<[0], [0], [1], [1], [0, 1, 1, 1], [], []>, transpose_lhs_hint = false} : vector<512x64xf32>, vector<512x1xf32>, vector<64x1xf32> -> vector<64x1xf32>
      %add3A_176 = arith.addf %get3A_54, %dot_general3A_175 : vector<64x1xf32>
      %swap3A_177 = arith.constant 0 : index
      %swap3A_178 = arith.constant 0 : index
      %swap3A_179 = vector.load %arg5[%swap3A_177, %swap3A_178] : memref<64x1xf32, #tpu.memory_space<vmem>>, vector<64x1xf32>
      tpu.vector_store %arg5[%swap3A_177, %swap3A_178], %add3A_176 {strides = array<i32>} : memref<64x1xf32, #tpu.memory_space<vmem>>, vector<64x1xf32>,
    } else {
    }
    %add3A_65 = arith.constant 1.270000e+02 : f32
    %add3A_66 = vector.broadcast %add3A_65 : f32 to vector<64x1xf32>
    %add3A_67 = arith.addf %get3A_54, %add3A_66 : vector<64x1xf32>
    %div3A_68 = arith.constant 1.280000e+02 : f32
    %div3A_69 = vector.broadcast %div3A_68 : f32 to vector<64x1xf32>
    %div3A_70 = arith.divf %add3A_67, %div3A_69 : vector<64x1xf32>
    %floor3A = math.floor %div3A_70 : vector<64x1xf32>
    %iota3A_71 = tpu.iota {dimensions = array<i32: 0>} : vector<64x64xi32>
    %iota3A_72 = tpu.iota {dimensions = array<i32: 1>} : vector<64x64xi32>
    %ge3A = arith.cmpi sge, %iota3A_71, %iota3A_72 : vector<64x64xi32>
    %jit3A_73 = arith.constant 1.000000e+00 : f32
    %jit3A_74 = arith.constant 0.000000e+00 : f32
    %broadcast_in_dim3A_75 = vector.broadcast %jit3A_73 : f32 to vector<64x64xf32>
    %broadcast_in_dim3A_76 = vector.broadcast %jit3A_74 : f32 to vector<64x64xf32>
    %select_n3A_77 = arith.select %ge3A, %broadcast_in_dim3A_75, %broadcast_in_dim3A_76 : vector<64x64xi1>, vector<64x64xf32>
    %eq3A_78 = arith.cmpi eq, %iota3A_71, %iota3A_72 : vector<64x64xi32>
    %jit3A_79 = arith.constant 1.000000e+00 : f32
    %jit3A_80 = arith.constant 0.000000e+00 : f32
    %broadcast_in_dim3A_81 = vector.broadcast %jit3A_79 : f32 to vector<64x64xf32>
    %broadcast_in_dim3A_82 = vector.broadcast %jit3A_80 : f32 to vector<64x64xf32>
    %select_n3A_83 = arith.select %eq3A_78, %broadcast_in_dim3A_81, %broadcast_in_dim3A_82 : vector<64x64xi1>, vector<64x64xf32>
    %dot_general3A_84 = arith.constant dense<0.000000e+00> : vector<64x1xf32>
    %dot_general3A_85 = tpu.matmul %select_n3A_77, %floor3A, %dot_general3A_84 {dimension_numbers = #tpu.dot_dimension_numbers<[1], [0], [0], [1], [0, 0, 1, 1], [], []>, transpose_lhs_hint = false} : vector<64x64xf32>, vector<64x1xf32>, vector<64x1xf32> -> vector<64x1xf32>
    %sub3A_86 = arith.subf %dot_general3A_85, %floor3A : vector<64x1xf32>
    %mul3A_87 = arith.constant 1.280000e+02 : f32
    %mul3A_88 = vector.broadcast %mul3A_87 : f32 to vector<64x1xf32>
    %mul3A_89 = arith.mulf %sub3A_86, %mul3A_88 : vector<64x1xf32>
    %jit3A_90 = arith.constant 8 : i32
    %eq3A_91 = arith.constant 0 : i32
    %eq3A_92 = arith.cmpi eq, %jit3A_90, %eq3A_91 : i32
    %jit3A_93 = arith.constant 1 : i32
    %select_n3A_94 = arith.select %eq3A_92, %jit3A_93, %jit3A_90 : i32
    %rem3A_95 = arith.remsi %arg0, %select_n3A_94 : i32
    %ne3A_96 = arith.constant 0 : i32
    %ne3A_97 = arith.cmpi ne, %rem3A_95, %ne3A_96 : i32
    %lt3A_98 = arith.constant 0 : i32
    %lt3A_99 = arith.cmpi slt, %rem3A_95, %lt3A_98 : i32
    %lt3A_100 = arith.constant 0 : i32
    %lt3A_101 = arith.cmpi slt, %select_n3A_94, %lt3A_100 : i32
    %ne3A_102 = arith.xori %lt3A_99, %lt3A_101 : i1
    %and3A_103 = arith.andi %ne3A_102, %ne3A_97 : i1
    %add3A_104 = arith.addi %rem3A_95, %select_n3A_94 : i32
    %select_n3A_105 = arith.select %and3A_103, %add3A_104, %rem3A_95 : i32
    %mul3A_106 = arith.constant 512 : i32
    %mul3A_107 = arith.muli %select_n3A_105, %mul3A_106 : i32
    %get3A_108 = arith.index_cast %mul3A_107 : i32 to index
    %get3A_109 = arith.constant 0 : index
    %get3A_110 = vector.load %arg6[%get3A_108, %get3A_109] : memref<4096x1xf32, #tpu.memory_space<vmem>>, vector<512x1xf32>
    %dot_general3A_111 = arith.constant dense<0.000000e+00> : vector<512x1xf32>
    %dot_general3A_112 = tpu.matmul %select_n3A_43, %mul3A_89, %dot_general3A_111 {dimension_numbers = #tpu.dot_dimension_numbers<[1], [0], [0], [1], [0, 0, 1, 1], [], []>, transpose_lhs_hint = false} : vector<512x64xf32>, vector<64x1xf32>, vector<512x1xf32> -> vector<512x1xf32>
    %add3A_113 = arith.addf %dot_general3A_112, %get3A_110 : vector<512x1xf32>
    %convert_element_type3A_114 = arith.fptosi %add3A_113 : vector<512x1xf32> to vector<512x1xi32>
    %swap3A = arith.constant 0 : index
    %swap3A_115 = arith.constant 0 : index
    %swap3A_116 = vector.load %arg2[%swap3A, %swap3A_115] : memref<512x1xi32, #tpu.memory_space<vmem>>, vector<512x1xi32>
    tpu.vector_store %arg2[%swap3A, %swap3A_115], %convert_element_type3A_114 {strides = array<i32>} : memref<512x1xi32, #tpu.memory_space<vmem>>, vector<512x1xi32>,
    %dot_general3A_117 = arith.constant dense<0.000000e+00> : vector<1x64xf32>
    %dot_general3A_118 = tpu.matmul %dot_general3A_85, %select_n3A_83, %dot_general3A_117 {dimension_numbers = #tpu.dot_dimension_numbers<[0], [0], [1], [1], [0, 1, 1, 1], [], []>, transpose_lhs_hint = false} : vector<64x1xf32>, vector<64x64xf32>, vector<1x64xf32> -> vector<1x64xf32>
    %iota3A_119 = tpu.iota {dimensions = array<i32: 0>} : vector<128x1xi32>
    %convert_element_type3A_120 = arith.sitofp %iota3A_119 : vector<128x1xi32> to vector<128x1xf32>
    %le3A = vector.broadcast %dot_general3A_118 : vector<1x64xf32> to vector<128x64xf32>
    %le3A_121 = vector.broadcast %convert_element_type3A_120 : vector<128x1xf32> to vector<128x64xf32>
    %le3A_122 = arith.cmpf ole, %le3A, %le3A_121 : vector<128x64xf32>
    %jit3A_123 = arith.constant 1.000000e+00 : f32
    %jit3A_124 = arith.constant 0.000000e+00 : f32
    %broadcast_in_dim3A_125 = vector.broadcast %jit3A_123 : f32 to vector<128x64xf32>
    %broadcast_in_dim3A_126 = vector.broadcast %jit3A_124 : f32 to vector<128x64xf32>
    %select_n3A_127 = arith.select %le3A_122, %broadcast_in_dim3A_125, %broadcast_in_dim3A_126 : vector<128x64xi1>, vector<128x64xf32>
    %reduce_sum3A_128 = arith.constant dense<0.000000e+00> : vector<128xf32>
    %reduce_sum3A_129 = vector.multi_reduction <add>, %select_n3A_127, %reduce_sum3A_128 [1] : vector<128x64xf32> to vector<128xf32>
    %broadcast_in_dim3A_130 = vector.shape_cast %reduce_sum3A_129 : vector<128xf32> to vector<128x1xf32>
    %jit3A_131 = arith.constant 0 : i32
    %jit3A_132 = arith.constant 63 : i32
    %convert_element_type3A_133 = arith.sitofp %jit3A_131 : i32 to f32
    %max3A = vector.broadcast %convert_element_type3A_133 : f32 to vector<128x1xf32>
    %max3A_134 = arith.maximumf %max3A, %broadcast_in_dim3A_130 : vector<128x1xf32>
    %convert_element_type3A_135 = arith.sitofp %jit3A_132 : i32 to f32
    %min3A = vector.broadcast %convert_element_type3A_135 : f32 to vector<128x1xf32>
    %min3A_136 = arith.minimumf %min3A, %max3A_134 : vector<128x1xf32>
    %convert_element_type3A_137 = arith.fptosi %min3A_136 : vector<128x1xf32> to vector<128x1xi32>
    %swap3A_138 = arith.constant 0 : index
    %swap3A_139 = arith.constant 0 : index
    %swap3A_140 = vector.load %arg3[%swap3A_138, %swap3A_139] : memref<128x1xi32, #tpu.memory_space<vmem>>, vector<128x1xi32>
    tpu.vector_store %arg3[%swap3A_138, %swap3A_139], %convert_element_type3A_137 {strides = array<i32>} : memref<128x1xi32, #tpu.memory_space<vmem>>, vector<128x1xi32>,
    %slice3A_141 = vector.extract_strided_slice %dot_general3A_85 {offsets = [63, 0], sizes = [1, 1], strides = [1, 1]} : vector<64x1xf32> to vector<1x1xf32>
    %lt3A_142 = vector.broadcast %slice3A_141 : vector<1x1xf32> to vector<128x1xf32>
    %lt3A_143 = arith.cmpf olt, %convert_element_type3A_120, %lt3A_142 : vector<128x1xf32>
    %jit3A_144 = arith.constant 9.600000e+01 : f32
    %broadcast_in_dim3A_145 = vector.broadcast %jit3A_144 : f32 to vector<128x1xf32>
    %select_n3A_146 = arith.select %lt3A_143, %convert_element_type3A_120, %broadcast_in_dim3A_145 : vector<128x1xi1>, vector<128x1xf32>
    %convert_element_type3A_147 = arith.fptosi %select_n3A_146 : vector<128x1xf32> to vector<128x1xi32>
    %swap3A_148 = arith.constant 0 : index
    %swap3A_149 = arith.constant 0 : index
    %swap3A_150 = vector.load %arg4[%swap3A_148, %swap3A_149] : memref<128x1xi32, #tpu.memory_space<vmem>>, vector<128x1xi32>
    tpu.vector_store %arg4[%swap3A_148, %swap3A_149], %convert_element_type3A_147 {strides = array<i32>} : memref<128x1xi32, #tpu.memory_space<vmem>>, vector<128x1xi32>,
    return
  }
  func.func @transform_0(%arg0: i32) -> (i32, i32) {
    %jit3A = arith.constant 4 : i32
    %eq3A = arith.constant 0 : i32
    %eq3A_0 = arith.cmpi eq, %jit3A, %eq3A : i32
    %jit3A_1 = arith.constant 1 : i32
    %select_n3A = arith.select %eq3A_0, %jit3A_1, %jit3A : i32
    %rem3A = arith.remsi %arg0, %select_n3A : i32
    %ne3A = arith.constant 0 : i32
    %ne3A_2 = arith.cmpi ne, %rem3A, %ne3A : i32
    %lt3A = arith.constant 0 : i32
    %lt3A_3 = arith.cmpi slt, %rem3A, %lt3A : i32
    %lt3A_4 = arith.constant 0 : i32
    %lt3A_5 = arith.cmpi slt, %select_n3A, %lt3A_4 : i32
    %ne3A_6 = arith.xori %lt3A_3, %lt3A_5 : i1
    %and3A = arith.andi %ne3A_6, %ne3A_2 : i1
    %add3A = arith.addi %rem3A, %select_n3A : i32
    %select_n3A_7 = arith.select %and3A, %add3A, %rem3A : i32
    %c0_i32 = arith.constant 0 : i32
    %c0_i32_8 = arith.constant 0 : i32
    return %select_n3A_7, %c0_i32 : i32, i32
  }
  func.func @transform_1(%arg0: i32) -> (i32, i32) {
    %jit3A = arith.constant 8 : i32
    %eq3A = arith.constant 0 : i32
    %eq3A_0 = arith.cmpi eq, %jit3A, %eq3A : i32
    %jit3A_1 = arith.constant 1 : i32
    %select_n3A = arith.select %eq3A_0, %jit3A_1, %jit3A : i32
    %rem3A = arith.remsi %arg0, %select_n3A : i32
    %ne3A = arith.constant 0 : i32
    %ne3A_2 = arith.cmpi ne, %rem3A, %ne3A : i32
    %lt3A = arith.constant 0 : i32
    %lt3A_3 = arith.cmpi slt, %rem3A, %lt3A : i32
    %lt3A_4 = arith.constant 0 : i32
    %lt3A_5 = arith.cmpi slt, %select_n3A, %lt3A_4 : i32
    %ne3A_6 = arith.xori %lt3A_3, %lt3A_5 : i1
    %and3A = arith.andi %ne3A_6, %ne3A_2 : i1
    %add3A = arith.addi %rem3A, %select_n3A : i32
    %select_n3A_7 = arith.select %and3A, %add3A, %rem3A : i32
    %c0_i32 = arith.constant 0 : i32
    %c0_i32_8 = arith.constant 0 : i32
    return %select_n3A_7, %c0_i32 : i32, i32
  }
  func.func @transform_2(%arg0: i32) -> (i32, i32) {
    %c0_i32 = arith.constant 0 : i32
    %c0_i32_0 = arith.constant 0 : i32
    %c0_i32_1 = arith.constant 0 : i32
    return %c0_i32, %c0_i32_0 : i32, i32
  }
  func.func @transform_3(%arg0: i32) -> (i32, i32) {
    %c0_i32 = arith.constant 0 : i32
    %c0_i32_0 = arith.constant 0 : i32
    %c0_i32_1 = arith.constant 0 : i32
    return %c0_i32, %c0_i32_0 : i32, i32
  }
}

module attributes {stable_mosaic.version = 14 : i64} {
  func.func @_gate_body(%arg0: i32, %arg1: memref<512x768xf32, #tpu.memory_space<vmem>>, %arg2: memref<64x768xf32, #tpu.memory_space<vmem>>, %arg3: memref<512x128xf32, #tpu.memory_space<vmem>>, %arg4: memref<512x128xi32, #tpu.memory_space<vmem>>) attributes {dimension_semantics = [#tpu.dimension_semantics<arbitrary>], iteration_bounds = array<i64: 4>, scalar_prefetch = 0 : i64, scratch_operands = 0 : i64, tpu.core_type = #tpu.core_type<tc>, window_params = [{transform_indices = @transform_0, window_bounds = array<i64: 512, 768>}, {pipeline_mode = #tpu.pipeline_mode<synchronous>, transform_indices = @transform_1, window_bounds = array<i64: 64, 768>}, {transform_indices = @transform_2, window_bounds = array<i64: 512, 128>}, {transform_indices = @transform_3, window_bounds = array<i64: 512, 128>}]} {
    %get3A = arith.constant 0 : index
    %get3A_0 = arith.constant 0 : index
    %get3A_1 = vector.load %arg1[%get3A, %get3A_0] : memref<512x768xf32, #tpu.memory_space<vmem>>, vector<512x768xf32>
    %get3A_2 = arith.constant 0 : index
    %get3A_3 = arith.constant 0 : index
    %get3A_4 = vector.load %arg2[%get3A_2, %get3A_3] : memref<64x768xf32, #tpu.memory_space<vmem>>, vector<64x768xf32>
    %dot_general3A = arith.constant dense<0.000000e+00> : vector<512x64xf32>
    %dot_general3A_5 = tpu.matmul %get3A_1, %get3A_4, %dot_general3A {dimension_numbers = #tpu.dot_dimension_numbers<[1], [1], [0], [0], [0, 0, 1, 0], [], []>, transpose_lhs_hint = false} : vector<512x768xf32>, vector<64x768xf32>, vector<512x64xf32> -> vector<512x64xf32>
    %reduce_max3A = arith.constant dense<0xFF800000> : vector<512xf32>
    %reduce_max3A_6 = vector.multi_reduction <maximumf>, %dot_general3A_5, %reduce_max3A [1] : vector<512x64xf32> to vector<512xf32>
    %broadcast_in_dim3A = vector.shape_cast %reduce_max3A_6 : vector<512xf32> to vector<512x1xf32>
    %sub3A = vector.broadcast %broadcast_in_dim3A : vector<512x1xf32> to vector<512x64xf32>
    %sub3A_7 = arith.subf %dot_general3A_5, %sub3A : vector<512x64xf32>
    %exp3A = math.exp %sub3A_7 : vector<512x64xf32>
    %reduce_sum3A = arith.constant dense<0.000000e+00> : vector<512xf32>
    %reduce_sum3A_8 = vector.multi_reduction <add>, %exp3A, %reduce_sum3A [1] : vector<512x64xf32> to vector<512xf32>
    %broadcast_in_dim3A_9 = vector.shape_cast %reduce_sum3A_8 : vector<512xf32> to vector<512x1xf32>
    %div3A = vector.broadcast %broadcast_in_dim3A_9 : vector<512x1xf32> to vector<512x64xf32>
    %div3A_10 = arith.divf %exp3A, %div3A : vector<512x64xf32>
    %iota3A = tpu.iota {dimensions = array<i32: 1>} : vector<512x64xi32>
    %reduce_max3A_11 = arith.constant dense<0xFF800000> : vector<512xf32>
    %reduce_max3A_12 = vector.multi_reduction <maximumf>, %div3A_10, %reduce_max3A_11 [1] : vector<512x64xf32> to vector<512xf32>
    %broadcast_in_dim3A_13 = vector.shape_cast %reduce_max3A_12 : vector<512xf32> to vector<512x1xf32>
    %eq3A = vector.broadcast %broadcast_in_dim3A_13 : vector<512x1xf32> to vector<512x64xf32>
    %eq3A_14 = arith.cmpf oeq, %div3A_10, %eq3A : vector<512x64xf32>
    %jit3A = arith.constant 64 : i32
    %broadcast_in_dim3A_15 = vector.broadcast %jit3A : i32 to vector<512x64xi32>
    %select_n3A = arith.select %eq3A_14, %iota3A, %broadcast_in_dim3A_15 : vector<512x64xi1>, vector<512x64xi32>
    %reduce_min3A = arith.constant dense<2147483647> : vector<512xi32>
    %reduce_min3A_16 = vector.multi_reduction <minsi>, %select_n3A, %reduce_min3A [1] : vector<512x64xi32> to vector<512xi32>
    %broadcast_in_dim3A_17 = vector.shape_cast %reduce_min3A_16 : vector<512xi32> to vector<512x1xi32>
    %eq3A_18 = vector.broadcast %broadcast_in_dim3A_17 : vector<512x1xi32> to vector<512x64xi32>
    %eq3A_19 = arith.cmpi eq, %iota3A, %eq3A_18 : vector<512x64xi32>
    %jit3A_20 = arith.constant -1.000000e+00 : f32
    %broadcast_in_dim3A_21 = vector.broadcast %jit3A_20 : f32 to vector<512x64xf32>
    %select_n3A_22 = arith.select %eq3A_19, %broadcast_in_dim3A_21, %div3A_10 : vector<512x64xi1>, vector<512x64xf32>
    %reduce_max3A_23 = arith.constant dense<0xFF800000> : vector<512xf32>
    %reduce_max3A_24 = vector.multi_reduction <maximumf>, %select_n3A_22, %reduce_max3A_23 [1] : vector<512x64xf32> to vector<512xf32>
    %broadcast_in_dim3A_25 = vector.shape_cast %reduce_max3A_24 : vector<512xf32> to vector<512x1xf32>
    %eq3A_26 = vector.broadcast %broadcast_in_dim3A_25 : vector<512x1xf32> to vector<512x64xf32>
    %eq3A_27 = arith.cmpf oeq, %select_n3A_22, %eq3A_26 : vector<512x64xf32>
    %jit3A_28 = arith.constant 64 : i32
    %broadcast_in_dim3A_29 = vector.broadcast %jit3A_28 : i32 to vector<512x64xi32>
    %select_n3A_30 = arith.select %eq3A_27, %iota3A, %broadcast_in_dim3A_29 : vector<512x64xi1>, vector<512x64xi32>
    %reduce_min3A_31 = arith.constant dense<2147483647> : vector<512xi32>
    %reduce_min3A_32 = vector.multi_reduction <minsi>, %select_n3A_30, %reduce_min3A_31 [1] : vector<512x64xi32> to vector<512xi32>
    %broadcast_in_dim3A_33 = vector.shape_cast %reduce_min3A_32 : vector<512xi32> to vector<512x1xi32>
    %iota3A_34 = tpu.iota {dimensions = array<i32: 1>} : vector<512x128xi32>
    %eq3A_35 = arith.constant 0 : i32
    %eq3A_36 = vector.broadcast %eq3A_35 : i32 to vector<512x128xi32>
    %eq3A_37 = arith.cmpi eq, %iota3A_34, %eq3A_36 : vector<512x128xi32>
    %jit3A_38 = arith.constant 0.000000e+00 : f32
    %broadcast_in_dim3A_39 = vector.shape_cast %broadcast_in_dim3A_13 : vector<512x1xf32> to vector<512x1xf32>
    %broadcast_in_dim3A_40 = vector.broadcast %broadcast_in_dim3A_39 : vector<512x1xf32> to vector<512x128xf32>
    %broadcast_in_dim3A_41 = vector.broadcast %jit3A_38 : f32 to vector<512x128xf32>
    %select_n3A_42 = arith.select %eq3A_37, %broadcast_in_dim3A_40, %broadcast_in_dim3A_41 : vector<512x128xi1>, vector<512x128xf32>
    %eq3A_43 = arith.constant 1 : i32
    %eq3A_44 = vector.broadcast %eq3A_43 : i32 to vector<512x128xi32>
    %eq3A_45 = arith.cmpi eq, %iota3A_34, %eq3A_44 : vector<512x128xi32>
    %jit3A_46 = arith.constant 0.000000e+00 : f32
    %broadcast_in_dim3A_47 = vector.shape_cast %broadcast_in_dim3A_25 : vector<512x1xf32> to vector<512x1xf32>
    %broadcast_in_dim3A_48 = vector.broadcast %broadcast_in_dim3A_47 : vector<512x1xf32> to vector<512x128xf32>
    %broadcast_in_dim3A_49 = vector.broadcast %jit3A_46 : f32 to vector<512x128xf32>
    %select_n3A_50 = arith.select %eq3A_45, %broadcast_in_dim3A_48, %broadcast_in_dim3A_49 : vector<512x128xi1>, vector<512x128xf32>
    %add3A = arith.addf %select_n3A_42, %select_n3A_50 : vector<512x128xf32>
    %swap3A = arith.constant 0 : index
    %swap3A_51 = arith.constant 0 : index
    %swap3A_52 = vector.load %arg3[%swap3A, %swap3A_51] : memref<512x128xf32, #tpu.memory_space<vmem>>, vector<512x128xf32>
    tpu.vector_store %arg3[%swap3A, %swap3A_51], %add3A {strides = array<i32>} : memref<512x128xf32, #tpu.memory_space<vmem>>, vector<512x128xf32>,
    %eq3A_53 = arith.constant 0 : i32
    %eq3A_54 = vector.broadcast %eq3A_53 : i32 to vector<512x128xi32>
    %eq3A_55 = arith.cmpi eq, %iota3A_34, %eq3A_54 : vector<512x128xi32>
    %jit3A_56 = arith.constant 0 : i32
    %broadcast_in_dim3A_57 = vector.shape_cast %broadcast_in_dim3A_17 : vector<512x1xi32> to vector<512x1xi32>
    %broadcast_in_dim3A_58 = vector.broadcast %broadcast_in_dim3A_57 : vector<512x1xi32> to vector<512x128xi32>
    %broadcast_in_dim3A_59 = vector.broadcast %jit3A_56 : i32 to vector<512x128xi32>
    %select_n3A_60 = arith.select %eq3A_55, %broadcast_in_dim3A_58, %broadcast_in_dim3A_59 : vector<512x128xi1>, vector<512x128xi32>
    %eq3A_61 = arith.constant 1 : i32
    %eq3A_62 = vector.broadcast %eq3A_61 : i32 to vector<512x128xi32>
    %eq3A_63 = arith.cmpi eq, %iota3A_34, %eq3A_62 : vector<512x128xi32>
    %jit3A_64 = arith.constant 0 : i32
    %broadcast_in_dim3A_65 = vector.shape_cast %broadcast_in_dim3A_33 : vector<512x1xi32> to vector<512x1xi32>
    %broadcast_in_dim3A_66 = vector.broadcast %broadcast_in_dim3A_65 : vector<512x1xi32> to vector<512x128xi32>
    %broadcast_in_dim3A_67 = vector.broadcast %jit3A_64 : i32 to vector<512x128xi32>
    %select_n3A_68 = arith.select %eq3A_63, %broadcast_in_dim3A_66, %broadcast_in_dim3A_67 : vector<512x128xi1>, vector<512x128xi32>
    %add3A_69 = arith.addi %select_n3A_60, %select_n3A_68 : vector<512x128xi32>
    %swap3A_70 = arith.constant 0 : index
    %swap3A_71 = arith.constant 0 : index
    %swap3A_72 = vector.load %arg4[%swap3A_70, %swap3A_71] : memref<512x128xi32, #tpu.memory_space<vmem>>, vector<512x128xi32>
    tpu.vector_store %arg4[%swap3A_70, %swap3A_71], %add3A_69 {strides = array<i32>} : memref<512x128xi32, #tpu.memory_space<vmem>>, vector<512x128xi32>,
    return
  }
  func.func @transform_0(%arg0: i32) -> (i32, i32) {
    %c0_i32 = arith.constant 0 : i32
    %c0_i32_0 = arith.constant 0 : i32
    return %arg0, %c0_i32 : i32, i32
  }
  func.func @transform_1(%arg0: i32) -> (i32, i32) {
    %c0_i32 = arith.constant 0 : i32
    %c0_i32_0 = arith.constant 0 : i32
    %c0_i32_1 = arith.constant 0 : i32
    return %c0_i32, %c0_i32_0 : i32, i32
  }
  func.func @transform_2(%arg0: i32) -> (i32, i32) {
    %c0_i32 = arith.constant 0 : i32
    %c0_i32_0 = arith.constant 0 : i32
    return %arg0, %c0_i32 : i32, i32
  }
  func.func @transform_3(%arg0: i32) -> (i32, i32) {
    %c0_i32 = arith.constant 0 : i32
    %c0_i32_0 = arith.constant 0 : i32
    return %arg0, %c0_i32 : i32, i32
  }
}

module attributes {stable_mosaic.version = 14 : i64} {
  func.func @_moe_ffn_body(%arg0: i32, %arg1: memref<128xi32, #tpu.memory_space<smem>>, %arg2: memref<128xi32, #tpu.memory_space<smem>>, %arg3: memref<128x768xf32, #tpu.memory_space<vmem>>, %arg4: memref<1x768x256xf32, #tpu.memory_space<vmem>>, %arg5: memref<1x768x256xf32, #tpu.memory_space<vmem>>, %arg6: memref<1x256x768xf32, #tpu.memory_space<vmem>>, %arg7: memref<128x768xf32, #tpu.memory_space<vmem>>) attributes {dimension_semantics = [#tpu.dimension_semantics<arbitrary>], iteration_bounds = array<i64: 96>, scalar_prefetch = 2 : i64, scratch_operands = 0 : i64, tpu.core_type = #tpu.core_type<tc>, window_params = [{transform_indices = @transform_0, window_bounds = array<i64: 128, 768>}, {transform_indices = @transform_1, window_bounds = array<i64: 1, 768, 256>}, {transform_indices = @transform_2, window_bounds = array<i64: 1, 768, 256>}, {transform_indices = @transform_3, window_bounds = array<i64: 1, 256, 768>}, {transform_indices = @transform_4, window_bounds = array<i64: 128, 768>}]} {
    %get3A = arith.index_cast %arg0 : i32 to index
    %get3A_0 = memref.load %arg2[%get3A] : memref<128xi32, #tpu.memory_space<smem>>
    %lt3A = arith.constant 96 : i32
    %lt3A_1 = arith.cmpi slt, %get3A_0, %lt3A : i32
    %convert_element_type3A = arith.extui %lt3A_1 : i1 to i32
    %cond3A = arith.constant 0 : i32
    %cond3A_2 = arith.cmpi ne, %convert_element_type3A, %cond3A : i32
    scf.if %cond3A_2 {
      %get3A_3 = arith.constant 0 : index
      %get3A_4 = arith.constant 0 : index
      %get3A_5 = vector.load %arg3[%get3A_3, %get3A_4] : memref<128x768xf32, #tpu.memory_space<vmem>>, vector<128x768xf32>
      %get3A_6 = arith.constant 0 : index
      %get3A_7 = arith.constant 0 : index
      %get3A_8 = arith.constant 0 : index
      %get3A_9 = vector.load %arg4[%get3A_6, %get3A_7, %get3A_8] : memref<1x768x256xf32, #tpu.memory_space<vmem>>, vector<1x768x256xf32>
      %get3A_10 = vector.shape_cast %get3A_9 : vector<1x768x256xf32> to vector<768x256xf32>
      %dot_general3A = arith.constant dense<0.000000e+00> : vector<128x256xf32>
      %dot_general3A_11 = tpu.matmul %get3A_5, %get3A_10, %dot_general3A {dimension_numbers = #tpu.dot_dimension_numbers<[1], [0], [0], [1], [0, 0, 1, 1], [], []>, transpose_lhs_hint = false} : vector<128x768xf32>, vector<768x256xf32>, vector<128x256xf32> -> vector<128x256xf32>
      %get3A_12 = arith.constant 0 : index
      %get3A_13 = arith.constant 0 : index
      %get3A_14 = arith.constant 0 : index
      %get3A_15 = vector.load %arg5[%get3A_12, %get3A_13, %get3A_14] : memref<1x768x256xf32, #tpu.memory_space<vmem>>, vector<1x768x256xf32>
      %get3A_16 = vector.shape_cast %get3A_15 : vector<1x768x256xf32> to vector<768x256xf32>
      %dot_general3A_17 = arith.constant dense<0.000000e+00> : vector<128x256xf32>
      %dot_general3A_18 = tpu.matmul %get3A_5, %get3A_16, %dot_general3A_17 {dimension_numbers = #tpu.dot_dimension_numbers<[1], [0], [0], [1], [0, 0, 1, 1], [], []>, transpose_lhs_hint = false} : vector<128x768xf32>, vector<768x256xf32>, vector<128x256xf32> -> vector<128x256xf32>
      %logistic3A = arith.negf %dot_general3A_11 : vector<128x256xf32>
      %logistic3A_19 = math.exp %logistic3A : vector<128x256xf32>
      %logistic3A_20 = arith.constant 1.000000e+00 : f32
      %logistic3A_21 = vector.broadcast %logistic3A_20 : f32 to vector<128x256xf32>
      %logistic3A_22 = arith.addf %logistic3A_21, %logistic3A_19 : vector<128x256xf32>
      %logistic3A_23 = arith.divf %logistic3A_21, %logistic3A_22 : vector<128x256xf32>
      %mul3A = arith.mulf %dot_general3A_11, %logistic3A_23 : vector<128x256xf32>
      %mul3A_24 = arith.mulf %mul3A, %dot_general3A_18 : vector<128x256xf32>
      %get3A_25 = arith.constant 0 : index
      %get3A_26 = arith.constant 0 : index
      %get3A_27 = arith.constant 0 : index
      %get3A_28 = vector.load %arg6[%get3A_25, %get3A_26, %get3A_27] : memref<1x256x768xf32, #tpu.memory_space<vmem>>, vector<1x256x768xf32>
      %get3A_29 = vector.shape_cast %get3A_28 : vector<1x256x768xf32> to vector<256x768xf32>
      %dot_general3A_30 = arith.constant dense<0.000000e+00> : vector<128x768xf32>
      %dot_general3A_31 = tpu.matmul %mul3A_24, %get3A_29, %dot_general3A_30 {dimension_numbers = #tpu.dot_dimension_numbers<[1], [0], [0], [1], [0, 0, 1, 1], [], []>, transpose_lhs_hint = false} : vector<128x256xf32>, vector<256x768xf32>, vector<128x768xf32> -> vector<128x768xf32>
      %swap3A = arith.constant 0 : index
      %swap3A_32 = arith.constant 0 : index
      %swap3A_33 = vector.load %arg7[%swap3A, %swap3A_32] : memref<128x768xf32, #tpu.memory_space<vmem>>, vector<128x768xf32>
      tpu.vector_store %arg7[%swap3A, %swap3A_32], %dot_general3A_31 {strides = array<i32>} : memref<128x768xf32, #tpu.memory_space<vmem>>, vector<128x768xf32>,
    } else {
    }
    return
  }
  func.func @transform_0(%arg0: i32, %arg1: memref<128xi32, #tpu.memory_space<smem>>, %arg2: memref<128xi32, #tpu.memory_space<smem>>) -> (i32, i32) {
    %get3A = arith.index_cast %arg0 : i32 to index
    %get3A_0 = memref.load %arg2[%get3A] : memref<128xi32, #tpu.memory_space<smem>>
    %c0_i32 = arith.constant 0 : i32
    %c0_i32_1 = arith.constant 0 : i32
    return %get3A_0, %c0_i32 : i32, i32
  }
  func.func @transform_1(%arg0: i32, %arg1: memref<128xi32, #tpu.memory_space<smem>>, %arg2: memref<128xi32, #tpu.memory_space<smem>>) -> (i32, i32, i32) {
    %get3A = arith.index_cast %arg0 : i32 to index
    %get3A_0 = memref.load %arg1[%get3A] : memref<128xi32, #tpu.memory_space<smem>>
    %c0_i32 = arith.constant 0 : i32
    %c0_i32_1 = arith.constant 0 : i32
    %c0_i32_2 = arith.constant 0 : i32
    return %get3A_0, %c0_i32, %c0_i32_1 : i32, i32, i32
  }
  func.func @transform_2(%arg0: i32, %arg1: memref<128xi32, #tpu.memory_space<smem>>, %arg2: memref<128xi32, #tpu.memory_space<smem>>) -> (i32, i32, i32) {
    %get3A = arith.index_cast %arg0 : i32 to index
    %get3A_0 = memref.load %arg1[%get3A] : memref<128xi32, #tpu.memory_space<smem>>
    %c0_i32 = arith.constant 0 : i32
    %c0_i32_1 = arith.constant 0 : i32
    %c0_i32_2 = arith.constant 0 : i32
    return %get3A_0, %c0_i32, %c0_i32_1 : i32, i32, i32
  }
  func.func @transform_3(%arg0: i32, %arg1: memref<128xi32, #tpu.memory_space<smem>>, %arg2: memref<128xi32, #tpu.memory_space<smem>>) -> (i32, i32, i32) {
    %get3A = arith.index_cast %arg0 : i32 to index
    %get3A_0 = memref.load %arg1[%get3A] : memref<128xi32, #tpu.memory_space<smem>>
    %c0_i32 = arith.constant 0 : i32
    %c0_i32_1 = arith.constant 0 : i32
    %c0_i32_2 = arith.constant 0 : i32
    return %get3A_0, %c0_i32, %c0_i32_1 : i32, i32, i32
  }
  func.func @transform_4(%arg0: i32, %arg1: memref<128xi32, #tpu.memory_space<smem>>, %arg2: memref<128xi32, #tpu.memory_space<smem>>) -> (i32, i32) {
    %get3A = arith.index_cast %arg0 : i32 to index
    %get3A_0 = memref.load %arg2[%get3A] : memref<128xi32, #tpu.memory_space<smem>>
    %c0_i32 = arith.constant 0 : i32
    %c0_i32_1 = arith.constant 0 : i32
    return %get3A_0, %c0_i32 : i32, i32
  }
}

module attributes {stable_mosaic.version = 14 : i64} {
  func.func @_combine_body(%arg0: i32, %arg1: memref<512x128xf32, #tpu.memory_space<vmem>>, %arg2: memref<512x768xf32, #tpu.memory_space<vmem>>, %arg3: memref<512x768xf32, #tpu.memory_space<vmem>>, %arg4: memref<512x768xf32, #tpu.memory_space<vmem>>, %arg5: memref<768x256xf32, #tpu.memory_space<vmem>>, %arg6: memref<768x256xf32, #tpu.memory_space<vmem>>, %arg7: memref<256x768xf32, #tpu.memory_space<vmem>>, %arg8: memref<512x768xf32, #tpu.memory_space<vmem>>) attributes {dimension_semantics = [#tpu.dimension_semantics<arbitrary>], iteration_bounds = array<i64: 4>, scalar_prefetch = 0 : i64, scratch_operands = 0 : i64, tpu.core_type = #tpu.core_type<tc>, window_params = [{transform_indices = @transform_0, window_bounds = array<i64: 512, 128>}, {transform_indices = @transform_1, window_bounds = array<i64: 512, 768>}, {transform_indices = @transform_2, window_bounds = array<i64: 512, 768>}, {transform_indices = @transform_3, window_bounds = array<i64: 512, 768>}, {pipeline_mode = #tpu.pipeline_mode<synchronous>, transform_indices = @transform_4, window_bounds = array<i64: 768, 256>}, {pipeline_mode = #tpu.pipeline_mode<synchronous>, transform_indices = @transform_5, window_bounds = array<i64: 768, 256>}, {pipeline_mode = #tpu.pipeline_mode<synchronous>, transform_indices = @transform_6, window_bounds = array<i64: 256, 768>}, {transform_indices = @transform_7, window_bounds = array<i64: 512, 768>}]} {
    %get3A = arith.constant 0 : index
    %get3A_0 = arith.constant 0 : index
    %get3A_1 = vector.load %arg4[%get3A, %get3A_0] : memref<512x768xf32, #tpu.memory_space<vmem>>, vector<512x768xf32>
    %get3A_2 = arith.constant 0 : index
    %get3A_3 = arith.constant 0 : index
    %get3A_4 = vector.load %arg5[%get3A_2, %get3A_3] : memref<768x256xf32, #tpu.memory_space<vmem>>, vector<768x256xf32>
    %dot_general3A = arith.constant dense<0.000000e+00> : vector<512x256xf32>
    %dot_general3A_5 = tpu.matmul %get3A_1, %get3A_4, %dot_general3A {dimension_numbers = #tpu.dot_dimension_numbers<[1], [0], [0], [1], [0, 0, 1, 1], [], []>, transpose_lhs_hint = false} : vector<512x768xf32>, vector<768x256xf32>, vector<512x256xf32> -> vector<512x256xf32>
    %get3A_6 = arith.constant 0 : index
    %get3A_7 = arith.constant 0 : index
    %get3A_8 = vector.load %arg6[%get3A_6, %get3A_7] : memref<768x256xf32, #tpu.memory_space<vmem>>, vector<768x256xf32>
    %dot_general3A_9 = arith.constant dense<0.000000e+00> : vector<512x256xf32>
    %dot_general3A_10 = tpu.matmul %get3A_1, %get3A_8, %dot_general3A_9 {dimension_numbers = #tpu.dot_dimension_numbers<[1], [0], [0], [1], [0, 0, 1, 1], [], []>, transpose_lhs_hint = false} : vector<512x768xf32>, vector<768x256xf32>, vector<512x256xf32> -> vector<512x256xf32>
    %logistic3A = arith.negf %dot_general3A_5 : vector<512x256xf32>
    %logistic3A_11 = math.exp %logistic3A : vector<512x256xf32>
    %logistic3A_12 = arith.constant 1.000000e+00 : f32
    %logistic3A_13 = vector.broadcast %logistic3A_12 : f32 to vector<512x256xf32>
    %logistic3A_14 = arith.addf %logistic3A_13, %logistic3A_11 : vector<512x256xf32>
    %logistic3A_15 = arith.divf %logistic3A_13, %logistic3A_14 : vector<512x256xf32>
    %mul3A = arith.mulf %dot_general3A_5, %logistic3A_15 : vector<512x256xf32>
    %mul3A_16 = arith.mulf %mul3A, %dot_general3A_10 : vector<512x256xf32>
    %get3A_17 = arith.constant 0 : index
    %get3A_18 = arith.constant 0 : index
    %get3A_19 = vector.load %arg7[%get3A_17, %get3A_18] : memref<256x768xf32, #tpu.memory_space<vmem>>, vector<256x768xf32>
    %dot_general3A_20 = arith.constant dense<0.000000e+00> : vector<512x768xf32>
    %dot_general3A_21 = tpu.matmul %mul3A_16, %get3A_19, %dot_general3A_20 {dimension_numbers = #tpu.dot_dimension_numbers<[1], [0], [0], [1], [0, 0, 1, 1], [], []>, transpose_lhs_hint = false} : vector<512x256xf32>, vector<256x768xf32>, vector<512x768xf32> -> vector<512x768xf32>
    %get3A_22 = arith.constant 0 : index
    %get3A_23 = arith.constant 0 : index
    %get3A_24 = vector.load %arg1[%get3A_22, %get3A_23] : memref<512x128xf32, #tpu.memory_space<vmem>>, vector<512x128xf32>
    %slice3A = vector.extract_strided_slice %get3A_24 {offsets = [0, 0], sizes = [512, 1], strides = [1, 1]} : vector<512x128xf32> to vector<512x1xf32>
    %slice3A_25 = vector.extract_strided_slice %get3A_24 {offsets = [0, 1], sizes = [512, 1], strides = [1, 1]} : vector<512x128xf32> to vector<512x1xf32>
    %get3A_26 = arith.constant 0 : index
    %get3A_27 = arith.constant 0 : index
    %get3A_28 = vector.load %arg2[%get3A_26, %get3A_27] : memref<512x768xf32, #tpu.memory_space<vmem>>, vector<512x768xf32>
    %mul3A_29 = vector.broadcast %slice3A : vector<512x1xf32> to vector<512x768xf32>
    %mul3A_30 = arith.mulf %mul3A_29, %get3A_28 : vector<512x768xf32>
    %get3A_31 = arith.constant 0 : index
    %get3A_32 = arith.constant 0 : index
    %get3A_33 = vector.load %arg3[%get3A_31, %get3A_32] : memref<512x768xf32, #tpu.memory_space<vmem>>, vector<512x768xf32>
    %mul3A_34 = vector.broadcast %slice3A_25 : vector<512x1xf32> to vector<512x768xf32>
    %mul3A_35 = arith.mulf %mul3A_34, %get3A_33 : vector<512x768xf32>
    %add3A = arith.addf %mul3A_30, %mul3A_35 : vector<512x768xf32>
    %add3A_36 = arith.addf %add3A, %dot_general3A_21 : vector<512x768xf32>
    %swap3A = arith.constant 0 : index
    %swap3A_37 = arith.constant 0 : index
    %swap3A_38 = vector.load %arg8[%swap3A, %swap3A_37] : memref<512x768xf32, #tpu.memory_space<vmem>>, vector<512x768xf32>
    tpu.vector_store %arg8[%swap3A, %swap3A_37], %add3A_36 {strides = array<i32>} : memref<512x768xf32, #tpu.memory_space<vmem>>, vector<512x768xf32>,
    return
  }
  func.func @transform_0(%arg0: i32) -> (i32, i32) {
    %c0_i32 = arith.constant 0 : i32
    %c0_i32_0 = arith.constant 0 : i32
    return %arg0, %c0_i32 : i32, i32
  }
  func.func @transform_1(%arg0: i32) -> (i32, i32) {
    %c0_i32 = arith.constant 0 : i32
    %c0_i32_0 = arith.constant 0 : i32
    return %arg0, %c0_i32 : i32, i32
  }
  func.func @transform_2(%arg0: i32) -> (i32, i32) {
    %add3A = arith.constant 4 : i32
    %add3A_0 = arith.addi %add3A, %arg0 : i32
    %c0_i32 = arith.constant 0 : i32
    %c0_i32_1 = arith.constant 0 : i32
    return %add3A_0, %c0_i32 : i32, i32
  }
  func.func @transform_3(%arg0: i32) -> (i32, i32) {
    %c0_i32 = arith.constant 0 : i32
    %c0_i32_0 = arith.constant 0 : i32
    return %arg0, %c0_i32 : i32, i32
  }
  func.func @transform_4(%arg0: i32) -> (i32, i32) {
    %c0_i32 = arith.constant 0 : i32
    %c0_i32_0 = arith.constant 0 : i32
    %c0_i32_1 = arith.constant 0 : i32
    return %c0_i32, %c0_i32_0 : i32, i32
  }
  func.func @transform_5(%arg0: i32) -> (i32, i32) {
    %c0_i32 = arith.constant 0 : i32
    %c0_i32_0 = arith.constant 0 : i32
    %c0_i32_1 = arith.constant 0 : i32
    return %c0_i32, %c0_i32_0 : i32, i32
  }
  func.func @transform_6(%arg0: i32) -> (i32, i32) {
    %c0_i32 = arith.constant 0 : i32
    %c0_i32_0 = arith.constant 0 : i32
    %c0_i32_1 = arith.constant 0 : i32
    return %c0_i32, %c0_i32_0 : i32, i32
  }
  func.func @transform_7(%arg0: i32) -> (i32, i32) {
    %c0_i32 = arith.constant 0 : i32
    %c0_i32_0 = arith.constant 0 : i32
    return %arg0, %c0_i32 : i32, i32
  }
}

</mosaic_0001>

<sc_bundles>
// kernel: kernel.11.cloned.1.call-start
scs
__scs_entry_jumppad:
0x0: {  	(pc) =	sbr.rel $0x88, $3  }
0x1: {  	(tag) =	ssettag $0x0;
	lr =	simm.s32 $0x1  }
0x2: {  	[smem:$0x3F99] =	sst lr;
	_ =	strace $0xD0000000  }
0x3: {  	_ = 	snop  }
0x4: {  	_ = 	snop  }
0x5: {  	_ = 	snop  }
0x6: {  	_ = 	snop  }
0x7: {  	_ = 	snop  }
__scs_overlays_trampoline_lowered:
0x8: {  	[smem:$0x3FA8] =	sst s0  }
0x9: {  	[smem:$0x3FA9] =	sst s1  }
0xa: {  	[smem:$0x3FAA] =	sst s2  }
0xb: {  	[smem:$0x3FAB] =	sst s3  }
0xc: {  	[smem:$0x3FAC] =	sst s4  }
0xd: {  	[smem:$0x3FAD] =	sst s5  }
0xe: {  	[smem:$0x3FAE] =	sst s6  }
0xf: {  	[smem:$0x3FAF] =	sst s7  }
0x10: {  	[smem:$0x3FB0] =	sst s8  }
0x11: {  	[smem:$0x3FB1] =	sst s9;
	s0 =	simm.s32 @!p0 $0x0  }
0x12: {  	s1 =	sld [smem:$0x3F97];
	s0 =	simm.s32 @p0 $0x1  }
0x13: {  	[smem:$0x3FB2] =	sst s0;
	s0 =	simm.s32 @!p1 $0x0  }
0x14: {  	s2 =	sld [smem:$0x3F96];
	s0 =	simm.s32 @p1 $0x1  }
0x15: {  	[smem:$0x3FB3] =	sst s0;
	s0 =	simm.s32 @!p2 $0x0  }
0x16: {  	s3 =	sld [smem:$0x3FDB];
	s0 =	simm.s32 @p2 $0x1  }
0x17: {  	s4 =	simm.s32 $0x1BF5;
	[smem:$0x3FB5] =	sst s0  }
0x18: {  	s0 =	sld [smem:$0x3F98];
	_ =	swait.ge [sflag:s4], $0x0  }
0x19: {  	s7 =	sld [smem:$0x3F99]  }
0x1a: {  	s8 =	sadd.s32 $0xFFFFE003, lr  }
0x1b: {  	s9 =	sadd.s32 $0xFFFFFEF7, lr;
	s5 =	simm.s32 $0xFFFFFFFF;
	p2 =	slt.u32 s8, $0xFFFFF086  }
0x1c: {  	p1 =	slt.u32 s9, $0xF7A;
	s5 =	simm.s32 @!p2 $0x0  }
0x1d: {  	s5 =	simm.s32 @p1 $0x1;
	p0 =	seq.s32 s7, s2  }
0x1e: {  	s7 =	smul.u32 @!p0 $0xF7A, s2;
	p2 =	seq.s32 @!p0 s5, $0x0  }
0x1f: {  	s9 =	smul.u32 $0xF7A, s1;
	s8 =	simm.s32 @!p0 $0x1BF5;
	p2 =	por !p2, p0  }
0x20: {  	[sflag:s8] =	ssyncset.s32 @!p0 $0xFFFFF086;
	s6 =	sadd.s32 @!p0 s3, s7;
	s7 =	simm.s32 @!p0 $0x108  }
0x21: {  	s3 =	sadd.s32 s3, s9;
	s6 =	sadd.s32 @!p0 $0x88, s6;
	s7 =	simm.s32 @p2 $0x1082  }
0x22: {  	[simem:s7], [sflag:s8] =	dma.local @!p0 [hbm:s6], $0xF7A  }
0x23: {  	s9 =	sor.u32 $0xD0000000, s2;
	s6 =	simm.s32 $0x108;
	_ =	swait.ge @!p0 [sflag:s8], $0x0  }
0x24: {  	s3 =	sadd.s32 $0x88, s3;
	s6 =	simm.s32 @!p1 $0x1082;
	[sflag:s4] =	ssyncset.s32 $0xFFFFF086  }
0x25: {  	[simem:s6], [sflag:s4] =	dma.local [hbm:s3], $0xF7A  }
0x26: {  	[smem:$0x3F99] =	sst s1;
	(tag) =	ssettag s2;
	_ =	strace s9  }
0x27: {  	s1 =	sld [smem:$0x3FA9]  }
0x28: {  	s2 =	sld [smem:$0x3FAA]  }
0x29: {  	s4 =	sld [smem:$0x3FAC]  }
0x2a: {  	p0 =	seq.s32 s5, $0x0;
	s5 =	sld [smem:$0x3FAD]  }
0x2b: {  	s6 =	sld [smem:$0x3FAE]  }
0x2c: {  	s7 =	sld [smem:$0x3FAF]  }
0x2d: {  	s3 =	simm.s32 $0x108;
	s8 =	sld [smem:$0x3FB0]  }
0x2e: {  	s3 =	simm.s32 @!p0 $0x1082;
	s9 =	sld [smem:$0x3FB1]  }
0x2f: {  	lr =	sadd.s32 s0, s3;
	s0 =	sld [smem:$0x3FA8]  }
0x30: {  	s3 =	sld [smem:$0x3FAB]  }
0x31: {  	[smem:$0x3FB4] =	sst s10  }
0x32: {  	s10 =	sld [smem:$0x3FB2];
	_ =	sdelay $0x3  }
0x33: {  	p0 =	seq.s32 s10, $0x1;
	s10 =	sld [smem:$0x3FB4];
	_ =	sdelay $0x3  }
0x34: {  	[smem:$0x3FB4] =	sst s10  }
0x35: {  	s10 =	sld [smem:$0x3FB3];
	_ =	sdelay $0x3  }
0x36: {  	p1 =	seq.s32 s10, $0x1;
	s10 =	sld [smem:$0x3FB4];
	_ =	sdelay $0x3  }
0x37: {  	[smem:$0x3FB4] =	sst s10  }
0x38: {  	s10 =	sld [smem:$0x3FB5]  }
0x39: {  	_ = 	snop;
	(pc) =	sbr.ind lr, $3  }
0x3a: {  	_ = 	snop  }
0x3b: {  	_ = 	snop  }
0x3c: {  	p2 =	seq.s32 s10, $0x1;
	s10 =	sld [smem:$0x3FB4]  }
0x3d: {  	_ =	shalt  }
0x3e: {  	_ =	shalt  }
0x3f: {  	_ =	shalt  }
0x40: {  	_ =	shalt  }
0x41: {  	_ =	shalt  }
0x42: {  	_ =	shalt  }
0x43: {  	_ =	shalt  }
0x44: {  	_ =	shalt  }
0x45: {  	_ =	shalt  }
0x46: {  	_ =	shalt  }
0x47: {  	_ =	shalt  }
0x48: {  	_ =	shalt  }
0x49: {  	_ =	shalt  }
0x4a: {  	_ =	shalt  }
0x4b: {  	_ =	shalt  }
0x4c: {  	_ =	shalt  }
0x4d: {  	_ =	shalt  }
0x4e: {  	_ =	shalt  }
0x4f: {  	_ =	shalt  }
0x50: {  	_ =	shalt  }
0x51: {  	_ =	shalt  }
0x52: {  	_ =	shalt  }
0x53: {  	_ =	shalt  }
0x54: {  	_ =	shalt  }
0x55: {  	_ =	shalt  }
0x56: {  	_ =	shalt  }
0x57: {  	_ =	shalt  }
0x58: {  	_ =	shalt  }
0x59: {  	_ =	shalt  }
0x5a: {  	_ =	shalt  }
0x5b: {  	_ =	shalt  }
0x5c: {  	_ =	shalt  }
0x5d: {  	_ =	shalt  }
0x5e: {  	_ =	shalt  }
0x5f: {  	_ =	shalt  }
0x60: {  	_ =	shalt  }
0x61: {  	_ =	shalt  }
0x62: {  	_ =	shalt  }
0x63: {  	_ =	shalt  }
0x64: {  	_ =	shalt  }
0x65: {  	_ =	shalt  }
0x66: {  	_ =	shalt  }
0x67: {  	_ =	shalt  }
0x68: {  	_ =	shalt  }
0x69: {  	_ =	shalt  }
0x6a: {  	_ =	shalt  }
0x6b: {  	_ =	shalt  }
0x6c: {  	_ =	shalt  }
0x6d: {  	_ =	shalt  }
0x6e: {  	_ =	shalt  }
0x6f: {  	_ =	shalt  }
0x70: {  	_ =	shalt  }
0x71: {  	_ =	shalt  }
0x72: {  	_ =	shalt  }
0x73: {  	_ =	shalt  }
0x74: {  	_ =	shalt  }
0x75: {  	_ =	shalt  }
0x76: {  	_ =	shalt  }
0x77: {  	_ =	shalt  }
0x78: {  	_ =	shalt  }
0x79: {  	_ =	shalt  }
0x7a: {  	_ =	shalt  }
0x7b: {  	_ =	shalt  }
0x7c: {  	_ =	shalt  }
0x7d: {  	_ =	shalt  }
0x7e: {  	_ =	shalt  }
0x7f: {  	_ =	shalt  }
0x80: {  	_ =	shalt  }
0x81: {  	_ =	shalt  }
0x82: {  	_ =	shalt  }
0x83: {  	_ =	shalt  }
0x84: {  	_ =	shalt  }
0x85: {  	_ =	shalt  }
0x86: {  	_ =	shalt  }
0x87: {  	_ =	shalt  }
.Lfunc_end0:
.L_simem_size_0:
called_computation.1_lowered:
.L_overlay_start_0:
0x88: {  	s2 =	sld [smem:$0x3FD9]  }
0x89: {  	s3 =	sld [smem:$0x3FFE];
	_ =	sdelay $0x1  }
0x8a: {  	s1 =	srdreg.scid  }
0x8b: {  	s0 =	sand.u32 $0x1, s1  }
0x8c: {  	s16 =	sshll.u32 s0, $0xA;
	s2 =	sadd.s32 s3, s2  }
0x8d: {  	s2 =	sadd.s32 s2, s16  }
0x8e: {  	[smem:$0x3FC0] =	sst s2  }
0x8f: {  	_ = 	snop  }
0x90: {  	(tm) =	ssettm $0x1  }
0x91: {  	s17 =	sld [smem:$0x3FFB];
	_ =	sdelay $0x3  }
0x92: {  	_ =	strace s17  }
0x93: {  	s2 =	sld [smem:$0x3FFC];
	_ =	sdelay $0x3  }
0x94: {  	_ =	strace s2  }
0x95: {  	s2 =	sld [smem:$0x3FFD];
	_ =	sdelay $0x3  }
0x96: {  	_ =	strace s2  }
0x97: {  	_ =	strace $0x8FFFFFFF  }
0x98: {  	s18 =	sld [smem:$0x3FDB];
	_ =	sdelay $0x1  }
0x99: {  	s19 =	simm.s32 $_scs_section_size  }
0x9a: {  	s4 =	simm.s32 $_size__tile_overlayer_lowered;
	s5 =	simm.s32 $_tile_overlayer_lowered  }
0x9b: {  	s22 =	simm.s32 $0x1BFF;
	s21 =	sshll.u32 s5, $0x1;
	s2 =	sadd.s32 s19, s18  }
0x9c: {  	s6 =	simm.s32 $0x0;
	s20 =	sshll.u32 s4, $0x1;
	s4 =	sadd.s32 s21, s2  }
0x9d: {  	[timem:s6], [sflag:s22] =	dma.local [hbm:s4], s20  }
0x9e: {  	_ =	swait.ge [sflag:s22], s20  }
0x9f: {  	s3 =	ssub.s32 $0x0, s20;
	[sflag:s22] =	ssyncset.done $0x0  }
0xa0: {  	[sflag:s22] =	ssyncadd.s32 s3;
	_ =	sdelay $0x1  }
0xa1: {  	s23 =	simm.s32 $0x1B8B  }
0xa2: {  	_ =	swait.ge [sflag:s23], $0x1  }
0xa3: {  	[sflag:s23] =	ssyncset.done $0x0  }
0xa4: {  	s25 =	simm.s32 $0x1B8E;
	s24 =	sld [smem:$0x3FFE];
	[sflag:s23] =	ssyncadd.s32 $0xFFFFFFFF  }
0xa5: {  	s26 =	simm.s32 $execute0_lowered;
	[smem:$0x3FD2] =	sst s25  }
0xa6: {  	s4 =	sshll.u32 s26, $0x1;
	_ =	strace $0x80000049;
	[dreg:$0x1] =	wrdreg $0xFFFFFFFF  }
0xa7: {  	s28 =	simm.s32 $_size_execute0_lowered;
	s2 =	sadd.s32 s2, s4;
	[dreg:$0x0] =	wrdreg $0x0  }
0xa8: {  	s4 =	sshll.u32 s28, $0x1;
	[dreg:$0x2] =	wrdreg s2  }
0xa9: {  	[dreg:$0x3] =	wrdreg s4  }
0xaa: {  	[dreg:$0x4] =	wrdreg $0xC0  }
0xab: {  	_ =	task [dreg:s6], $0x5FFFF  }
0xac: {  	[dreg:$0x1] =	wrdreg $0xFFFFFFFF  }
0xad: {  	[dreg:$0x0] =	wrdreg $0x60  }
0xae: {  	[dreg:$0x2] =	wrdreg s24  }
0xaf: {  	[dreg:$0x3] =	wrdreg $0x9  }
0xb0: {  	_ =	task.clear_ibuf [dreg:s6], $0x4FFFF;
	_ =	strace $0x90000049  }
0xb1: {  	s29 =	simm.s32 $0x9;
	_ =	strace $0x8000004B  }
0xb2: {  	_ =	swait.ge [sflag:s29], $0x1  }
0xb3: {  	[sflag:s29] =	ssyncadd.s32 $0xFFFFFFFF  }
0xb4: {  	_ =	strace $0x9000004B  }
0xb5: {  	_ =	sfence  }
0xb6: {  	s30 =	sld [smem:$0x0];
	_ =	sdelay $0x2  }
0xb7: {  	s31 =	sshll.u32 s1, $0xD;
	s1 =	sshrl.u32 s1, $0x2  }
0xb8: {  	s3 =	sand.u32 $0x4000, s31;
	s1 =	sadd.s32 s1, s30  }
0xb9: {  	s0 =	sor.u32 s3, s0;
	s1 =	sshll.u32 s1, $0x11  }
0xba: {  	s0 =	sor.u32 s1, s0  }
0xbb: {  	s0 =	sadd.s32 $0x8F2B, s0  }
0xbc: {  	[sflag:s0] =	ssyncadd.remote.s32 $0x1  }
0xbd: {  	_ =	sfence.sel $0xFFFF  }
0xbe: {  	[dreg:$0x0] =	wrdreg $0xFFFFFFFF;
	(pc) =	sbr.abs _section_cstart, $3  }
0xbf: {  	[dreg:$0x1] =	wrdreg $0xFFFFFFFF  }
0xc0: {  	_ =	task.clear_ibuf [dreg:s6], $0x2FFFF;
	_ =	strace $0x9FFFFFFF  }
0xc1: {  	(tm) =	ssettm $0x7FFFFFFF  }
tec
execute0_lowered:
.L_overlay_start_1:
0x0: {  	(tag) =	ssettag $0x1  }
0x1: {  	s1 =	srdreg.scid  }
0x2: {  	s0 =	stileid.u32;
	s1 =	sand.u32 $0x1, s1  }
0x3: {  	s2 =	sshll.u32 s0, $0x5;
	s3 =	sshll.u32 s1, $0x4  }
0x4: {  	s5 =	rddreg [dreg:$0x0];
	s3 =	sor.u32 s3, s2;
	s2 =	simm.s32 $0x0  }
0x5: {  	s26 =	simm.s32 $0x880;
	[smem:$0x7FF] =	sst s2  }
0x6: {  	s0 =	simm.s32 $0x1080;
	_ =	strace $0x8000004A;
	[dreg:$0x4] =	wrdreg s26  }
0x7: {  	s6 =	simm.s32 $0x2080;
	[dreg:$0x5] =	wrdreg s0  }
0x8: {  	s7 =	simm.s32 $0x2880;
	[dreg:$0x7] =	wrdreg s6  }
0x9: {  	s8 =	simm.s32 $0x3080;
	[dreg:$0x8] =	wrdreg s7  }
0xa: {  	s9 =	simm.s32 $0x3880;
	[dreg:$0x9] =	wrdreg s8  }
0xb: {  	s10 =	simm.s32 $0x4080;
	[dreg:$0xa] =	wrdreg s9  }
0xc: {  	s11 =	simm.s32 $0x4880;
	[dreg:$0xb] =	wrdreg s10  }
0xd: {  	s12 =	simm.s32 $0x5080;
	[dreg:$0xc] =	wrdreg s11  }
0xe: {  	s13 =	simm.s32 $0x5880;
	[dreg:$0xd] =	wrdreg s12  }
0xf: {  	s14 =	simm.s32 $0x6080;
	[dreg:$0xe] =	wrdreg s13  }
0x10: {  	s15 =	simm.s32 $0x6880;
	[dreg:$0xf] =	wrdreg s14  }
0x11: {  	s16 =	simm.s32 $0x7080;
	[dreg:$0x10] =	wrdreg s15  }
0x12: {  	s17 =	simm.s32 $0x7880;
	s18 =	simm.s32 $0x8080;
	[dreg:$0x11] =	wrdreg s16  }
0x13: {  	s19 =	simm.s32 $0x8880;
	s20 =	simm.s32 $0x9080;
	[dreg:$0x12] =	wrdreg s17  }
0x14: {  	s21 =	simm.s32 $0x9880;
	s22 =	simm.s32 $0xA080;
	[dreg:$0x13] =	wrdreg s18  }
0x15: {  	s23 =	simm.s32 $0xA880;
	s24 =	simm.s32 $0xB880;
	[dreg:$0x14] =	wrdreg s19  }
0x16: {  	s28 =	simm.s32 $0x16080;
	s29 =	simm.s32 $0x16880;
	[dreg:$0x15] =	wrdreg s20  }
0x17: {  	s30 =	simm.s32 $0x17080;
	s31 =	simm.s32 $0x17880;
	[dreg:$0x16] =	wrdreg s21  }
0x18: {  	s4 =	smul.u32 $0x300, s3;
	s3 =	sadd.s32 s3, s5;
	[dreg:$0x17] =	wrdreg s22  }
0x19: {  	s1 =	ssub.s32 $0x2, s1;
	s3 =	sadd.s32 $0xE00, s3;
	[dreg:$0x18] =	wrdreg s23  }
0x1a: {  	s6 =	sshrl.u32 s1, $0x1;
	s7 =	simm.s32 $0xB080;
	[dreg:$0x1a] =	wrdreg s24  }
0x1b: {  	s8 =	simm.s32 $0x80;
	s26 =	simm.s32 $0xC880;
	s10 =	simm.s32 $0xD880  }
0x1c: {  	s11 =	simm.s32 $0xE080;
	s12 =	simm.s32 $0xE880;
	s13 =	simm.s32 $0xF080  }
0x1d: {  	s14 =	simm.s32 $0xF880;
	s15 =	simm.s32 $0x10080;
	s16 =	simm.s32 $0x10880  }
0x1e: {  	s17 =	simm.s32 $0x11080;
	s18 =	simm.s32 $0x11880;
	s19 =	simm.s32 $0x12080  }
0x1f: {  	s20 =	simm.s32 $0x12880;
	s21 =	simm.s32 $0x13080;
	s22 =	simm.s32 $0x13880  }
0x20: {  	s23 =	simm.s32 $0x14080;
	s24 =	simm.s32 $0x14880;
	[dreg:$0x2] =	wrdreg s3  }
0x21: {  	s4 =	sadd.s32 s4, s5;
	s3 =	sadd.s32 $0x124000, s5;
	[dreg:$0x19] =	wrdreg s7  }
0x22: {  	s1 =	ssub.s32 s1, s6;
	s7 =	simm.s32 $0x2;
	[dreg:$0x1c] =	wrdreg s26  }
0x23: {  	s26 =	simm.s32 $0x15880;
	s25 =	sadd.s32 $0x1000, s4;
	s4 =	simm.s32 $0x1880  }
0x24: {  	v2 =	vlaneseq.u32;
	s6 =	smax.u32 s1, $0x1;
	s1 =	simm.s32 $0x1;
	[dreg:$0x3] =	wrdreg s25  }
0x25: {  	vm0 =	vmmov $0xffff;
	v1 =	vshrl.u32 v2, $0x3;
	[dreg:$0x6] =	wrdreg s4;
	s4 =	sadd.s32 $0x124100, s5;
	s25 =	simm.s32 $0xC080  }
0x26: {  	v0 =	vand.u32 $0x7, v2;
	v2 =	vor.u32 $0x8, v2;
	v1 =	vmul.u32 $0x8, v1;
	s5 =	sadd.s32 $0x124200, s5;
	[dreg:$0x1b] =	wrdreg s25;
	s25 =	simm.s32 $0x15080  }
.LBB2_1:
0x27: {  	s0 =	rddreg [dreg:$0x2]  }
0x28: {  	[tilespmem:s2], [sflag:$0x2] =	stream.linear.gather [hbm4b:s0+s2], $0x80, $0x38;
	[tilespmem:$0x18080] =	vst v63  }
0x29: {  	_ =	swait.ge [sflag:s7], $0x80  }
0x2a: {  	[sflag:s7] =	ssyncset.done $0x0  }
0x2b: {  	[sflag:s7] =	ssyncadd.s32 $0xFFFFFF80  }
0x2c: {  	v3 =	vld [tilespmem:$0x0];
	_ =	sdelay $0x4  }
0x2d: {  	v4 =	vshrl.u32 v3, $0x3  }
0x2e: {  	v4 =	vmul.u32 $0x30, v4  }
0x2f: {  	v3 =	vand.u32 $0x7, v3  }
0x30: {  	v3 =	vor.u32 v3, v4  }
0x31: {  	v4 =	vperm.xlane v3, v0;
	_ =	sdelay $0x1  }
0x32: {  	v4 =	vadd.s32 v1, v4;
	_ =	sdelay $0x3  }
0x33: {  	v3 =	vperm.xlane v3, v2  }
0x34: {  	[tilespmem:s8], [sflag:$0x1] =	stream.indirect_vreg.gather [hbm4b:s3+s2], $0x80, v4, vm0, $0xb8;
	[tilespmem:$0x18080] =	vst v63  }
0x35: {  	s0 =	rddreg [dreg:$0x4];
	v3 =	vadd.s32 v1, v3  }
0x36: {  	[tilespmem:s0], [sflag:$0x1] =	stream.indirect_vreg.gather [hbm4b:s4+s2], $0x80, v4, vm0, $0xb8;
	[tilespmem:$0x18080] =	vst v63  }
0x37: {  	s9 =	rddreg [dreg:$0x5]  }
0x38: {  	[tilespmem:s9], [sflag:$0x1] =	stream.indirect_vreg.gather [hbm4b:s5+s2], $0x80, v4, vm0, $0xb8;
	[tilespmem:$0x18080] =	vst v63  }
0x39: {  	s0 =	rddreg [dreg:$0x6]  }
0x3a: {  	[tilespmem:s0], [sflag:$0x1] =	stream.indirect_vreg.gather [hbm4b:s3+s2], $0x80, v3, vm0, $0xb8;
	[tilespmem:$0x18080] =	vst v63  }
0x3b: {  	s9 =	rddreg [dreg:$0x7]  }
0x3c: {  	[tilespmem:s9], [sflag:$0x1] =	stream.indirect_vreg.gather [hbm4b:s4+s2], $0x80, v3, vm0, $0xb8;
	[tilespmem:$0x18080] =	vst v63  }
0x3d: {  	s0 =	rddreg [dreg:$0x8]  }
0x3e: {  	[tilespmem:s0], [sflag:$0x1] =	stream.indirect_vreg.gather [hbm4b:s5+s2], $0x80, v3, vm0, $0xb8;
	[tilespmem:$0x18080] =	vst v63  }
0x3f: {  	v3 =	vld [tilespmem:$0x10];
	_ =	sdelay $0x4  }
0x40: {  	v57 =	vshrl.u32 v3, $0x3  }
0x41: {  	v4 =	vmul.u32 $0x30, v57  }
0x42: {  	v3 =	vand.u32 $0x7, v3  }
0x43: {  	v3 =	vor.u32 v3, v4  }
0x44: {  	v4 =	vperm.xlane v3, v0;
	_ =	sdelay $0x1  }
0x45: {  	v4 =	vadd.s32 v1, v4;
	_ =	sdelay $0x3  }
0x46: {  	s0 =	rddreg [dreg:$0x9];
	v3 =	vperm.xlane v3, v2  }
0x47: {  	[tilespmem:s0], [sflag:$0x1] =	stream.indirect_vreg.gather [hbm4b:s3+s2], $0x80, v4, vm0, $0xb8;
	[tilespmem:$0x18080] =	vst v63  }
0x48: {  	s9 =	rddreg [dreg:$0xa];
	v3 =	vadd.s32 v1, v3  }
0x49: {  	[tilespmem:s9], [sflag:$0x1] =	stream.indirect_vreg.gather [hbm4b:s4+s2], $0x80, v4, vm0, $0xb8;
	[tilespmem:$0x18080] =	vst v63  }
0x4a: {  	s0 =	rddreg [dreg:$0xb]  }
0x4b: {  	[tilespmem:s0], [sflag:$0x1] =	stream.indirect_vreg.gather [hbm4b:s5+s2], $0x80, v4, vm0, $0xb8;
	[tilespmem:$0x18080] =	vst v63  }
0x4c: {  	s9 =	rddreg [dreg:$0xc]  }
0x4d: {  	[tilespmem:s9], [sflag:$0x1] =	stream.indirect_vreg.gather [hbm4b:s3+s2], $0x80, v3, vm0, $0xb8;
	[tilespmem:$0x18080] =	vst v63  }
0x4e: {  	s0 =	rddreg [dreg:$0xd]  }
0x4f: {  	[tilespmem:s0], [sflag:$0x1] =	stream.indirect_vreg.gather [hbm4b:s4+s2], $0x80, v3, vm0, $0xb8;
	[tilespmem:$0x18080] =	vst v63  }
0x50: {  	s9 =	rddreg [dreg:$0xe]  }
0x51: {  	[tilespmem:s9], [sflag:$0x1] =	stream.indirect_vreg.gather [hbm4b:s5+s2], $0x80, v3, vm0, $0xb8;
	[tilespmem:$0x18080] =	vst v63  }
0x52: {  	v3 =	vld [tilespmem:$0x20];
	_ =	sdelay $0x4  }
0x53: {  	v58 =	vshrl.u32 v3, $0x3  }
0x54: {  	v4 =	vmul.u32 $0x30, v58  }
0x55: {  	v3 =	vand.u32 $0x7, v3  }
0x56: {  	v3 =	vor.u32 v3, v4  }
0x57: {  	v4 =	vperm.xlane v3, v0;
	_ =	sdelay $0x1  }
0x58: {  	v4 =	vadd.s32 v1, v4;
	_ =	sdelay $0x3  }
0x59: {  	s0 =	rddreg [dreg:$0xf];
	v3 =	vperm.xlane v3, v2  }
0x5a: {  	[tilespmem:s0], [sflag:$0x1] =	stream.indirect_vreg.gather [hbm4b:s3+s2], $0x80, v4, vm0, $0xb8;
	[tilespmem:$0x18080] =	vst v63  }
0x5b: {  	s9 =	rddreg [dreg:$0x10];
	v3 =	vadd.s32 v1, v3  }
0x5c: {  	[tilespmem:s9], [sflag:$0x1] =	stream.indirect_vreg.gather [hbm4b:s4+s2], $0x80, v4, vm0, $0xb8;
	[tilespmem:$0x18080] =	vst v63  }
0x5d: {  	s0 =	rddreg [dreg:$0x11]  }
0x5e: {  	[tilespmem:s0], [sflag:$0x1] =	stream.indirect_vreg.gather [hbm4b:s5+s2], $0x80, v4, vm0, $0xb8;
	[tilespmem:$0x18080] =	vst v63  }
0x5f: {  	s9 =	rddreg [dreg:$0x12]  }
0x60: {  	[tilespmem:s9], [sflag:$0x1] =	stream.indirect_vreg.gather [hbm4b:s3+s2], $0x80, v3, vm0, $0xb8;
	[tilespmem:$0x18080] =	vst v63  }
0x61: {  	s0 =	rddreg [dreg:$0x13]  }
0x62: {  	[tilespmem:s0], [sflag:$0x1] =	stream.indirect_vreg.gather [hbm4b:s4+s2], $0x80, v3, vm0, $0xb8;
	[tilespmem:$0x18080] =	vst v63  }
0x63: {  	s9 =	rddreg [dreg:$0x14]  }
0x64: {  	[tilespmem:s9], [sflag:$0x1] =	stream.indirect_vreg.gather [hbm4b:s5+s2], $0x80, v3, vm0, $0xb8;
	[tilespmem:$0x18080] =	vst v63  }
0x65: {  	v3 =	vld [tilespmem:$0x30];
	_ =	sdelay $0x4  }
0x66: {  	v59 =	vshrl.u32 v3, $0x3  }
0x67: {  	v4 =	vmul.u32 $0x30, v59  }
0x68: {  	v3 =	vand.u32 $0x7, v3  }
0x69: {  	v3 =	vor.u32 v3, v4  }
0x6a: {  	v4 =	vperm.xlane v3, v0;
	_ =	sdelay $0x1  }
0x6b: {  	v4 =	vadd.s32 v1, v4;
	_ =	sdelay $0x3  }
0x6c: {  	s0 =	rddreg [dreg:$0x15];
	v3 =	vperm.xlane v3, v2  }
0x6d: {  	[tilespmem:s0], [sflag:$0x1] =	stream.indirect_vreg.gather [hbm4b:s3+s2], $0x80, v4, vm0, $0xb8;
	[tilespmem:$0x18080] =	vst v63  }
0x6e: {  	s9 =	rddreg [dreg:$0x16];
	v3 =	vadd.s32 v1, v3  }
0x6f: {  	[tilespmem:s9], [sflag:$0x1] =	stream.indirect_vreg.gather [hbm4b:s4+s2], $0x80, v4, vm0, $0xb8;
	[tilespmem:$0x18080] =	vst v63  }
0x70: {  	s0 =	rddreg [dreg:$0x17]  }
0x71: {  	[tilespmem:s0], [sflag:$0x1] =	stream.indirect_vreg.gather [hbm4b:s5+s2], $0x80, v4, vm0, $0xb8;
	[tilespmem:$0x18080] =	vst v63  }
0x72: {  	s9 =	rddreg [dreg:$0x18]  }
0x73: {  	[tilespmem:s9], [sflag:$0x1] =	stream.indirect_vreg.gather [hbm4b:s3+s2], $0x80, v3, vm0, $0xb8;
	[tilespmem:$0x18080] =	vst v63  }
0x74: {  	s0 =	rddreg [dreg:$0x19]  }
0x75: {  	[tilespmem:s0], [sflag:$0x1] =	stream.indirect_vreg.gather [hbm4b:s4+s2], $0x80, v3, vm0, $0xb8;
	[tilespmem:$0x18080] =	vst v63  }
0x76: {  	s9 =	rddreg [dreg:$0x1a]  }
0x77: {  	[tilespmem:s9], [sflag:$0x1] =	stream.indirect_vreg.gather [hbm4b:s5+s2], $0x80, v3, vm0, $0xb8;
	[tilespmem:$0x18080] =	vst v63  }
0x78: {  	v3 =	vld [tilespmem:$0x40];
	_ =	sdelay $0x4  }
0x79: {  	v60 =	vshrl.u32 v3, $0x3  }
0x7a: {  	v4 =	vmul.u32 $0x30, v60  }
0x7b: {  	v3 =	vand.u32 $0x7, v3  }
0x7c: {  	v3 =	vor.u32 v3, v4  }
0x7d: {  	v4 =	vperm.xlane v3, v0;
	_ =	sdelay $0x1  }
0x7e: {  	v4 =	vadd.s32 v1, v4;
	_ =	sdelay $0x3  }
0x7f: {  	s0 =	rddreg [dreg:$0x1b];
	v3 =	vperm.xlane v3, v2  }
0x80: {  	[tilespmem:s0], [sflag:$0x1] =	stream.indirect_vreg.gather [hbm4b:s3+s2], $0x80, v4, vm0, $0xb8;
	[tilespmem:$0x18080] =	vst v63  }
0x81: {  	s9 =	rddreg [dreg:$0x1c];
	v3 =	vadd.s32 v1, v3  }
0x82: {  	[tilespmem:s9], [sflag:$0x1] =	stream.indirect_vreg.gather [hbm4b:s4+s2], $0x80, v4, vm0, $0xb8;
	[tilespmem:$0x18080] =	vst v63  }
0x83: {  	s9 =	simm.s32 $0xD080  }
0x84: {  	[tilespmem:s9], [sflag:$0x1] =	stream.indirect_vreg.gather [hbm4b:s5+s2], $0x80, v4, vm0, $0xb8;
	[tilespmem:$0x18080] =	vst v63  }
0x85: {  	_ = 	snop  }
0x86: {  	[tilespmem:s10], [sflag:$0x1] =	stream.indirect_vreg.gather [hbm4b:s3+s2], $0x80, v3, vm0, $0xb8;
	[tilespmem:$0x18080] =	vst v63  }
0x87: {  	_ = 	snop  }
0x88: {  	[tilespmem:s11], [sflag:$0x1] =	stream.indirect_vreg.gather [hbm4b:s4+s2], $0x80, v3, vm0, $0xb8;
	[tilespmem:$0x18080] =	vst v63  }
0x89: {  	_ = 	snop  }
0x8a: {  	[tilespmem:s12], [sflag:$0x1] =	stream.indirect_vreg.gather [hbm4b:s5+s2], $0x80, v3, vm0, $0xb8;
	[tilespmem:$0x18080] =	vst v63  }
0x8b: {  	v3 =	vld [tilespmem:$0x50];
	_ =	sdelay $0x4  }
0x8c: {  	v61 =	vshrl.u32 v3, $0x3  }
0x8d: {  	v4 =	vmul.u32 $0x30, v61  }
0x8e: {  	v3 =	vand.u32 $0x7, v3  }
0x8f: {  	v3 =	vor.u32 v3, v4  }
0x90: {  	v4 =	vperm.xlane v3, v0;
	_ =	sdelay $0x1  }
0x91: {  	v4 =	vadd.s32 v1, v4;
	_ =	sdelay $0x3  }
0x92: {  	v3 =	vperm.xlane v3, v2  }
0x93: {  	[tilespmem:s13], [sflag:$0x1] =	stream.indirect_vreg.gather [hbm4b:s3+s2], $0x80, v4, vm0, $0xb8;
	[tilespmem:$0x18080] =	vst v63  }
0x94: {  	v3 =	vadd.s32 v1, v3  }
0x95: {  	[tilespmem:s14], [sflag:$0x1] =	stream.indirect_vreg.gather [hbm4b:s4+s2], $0x80, v4, vm0, $0xb8;
	[tilespmem:$0x18080] =	vst v63  }
0x96: {  	_ = 	snop  }
0x97: {  	[tilespmem:s15], [sflag:$0x1] =	stream.indirect_vreg.gather [hbm4b:s5+s2], $0x80, v4, vm0, $0xb8;
	[tilespmem:$0x18080] =	vst v63  }
0x98: {  	_ = 	snop  }
0x99: {  	[tilespmem:s16], [sflag:$0x1] =	stream.indirect_vreg.gather [hbm4b:s3+s2], $0x80, v3, vm0, $0xb8;
	[tilespmem:$0x18080] =	vst v63  }
0x9a: {  	_ = 	snop  }
0x9b: {  	[tilespmem:s17], [sflag:$0x1] =	stream.indirect_vreg.gather [hbm4b:s4+s2], $0x80, v3, vm0, $0xb8;
	[tilespmem:$0x18080] =	vst v63  }
0x9c: {  	_ = 	snop  }
0x9d: {  	[tilespmem:s18], [sflag:$0x1] =	stream.indirect_vreg.gather [hbm4b:s5+s2], $0x80, v3, vm0, $0xb8;
	[tilespmem:$0x18080] =	vst v63  }
0x9e: {  	v3 =	vld [tilespmem:$0x60];
	_ =	sdelay $0x4  }
0x9f: {  	v62 =	vshrl.u32 v3, $0x3  }
0xa0: {  	v4 =	vmul.u32 $0x30, v62  }
0xa1: {  	v3 =	vand.u32 $0x7, v3  }
0xa2: {  	v3 =	vor.u32 v3, v4  }
0xa3: {  	v4 =	vperm.xlane v3, v0;
	_ =	sdelay $0x1  }
0xa4: {  	v4 =	vadd.s32 v1, v4;
	_ =	sdelay $0x3  }
0xa5: {  	v3 =	vperm.xlane v3, v2  }
0xa6: {  	[tilespmem:s19], [sflag:$0x1] =	stream.indirect_vreg.gather [hbm4b:s3+s2], $0x80, v4, vm0, $0xb8;
	[tilespmem:$0x18080] =	vst v63  }
0xa7: {  	v3 =	vadd.s32 v1, v3  }
0xa8: {  	[tilespmem:s20], [sflag:$0x1] =	stream.indirect_vreg.gather [hbm4b:s4+s2], $0x80, v4, vm0, $0xb8;
	[tilespmem:$0x18080] =	vst v63  }
0xa9: {  	_ = 	snop  }
0xaa: {  	[tilespmem:s21], [sflag:$0x1] =	stream.indirect_vreg.gather [hbm4b:s5+s2], $0x80, v4, vm0, $0xb8;
	[tilespmem:$0x18080] =	vst v63  }
0xab: {  	_ = 	snop  }
0xac: {  	[tilespmem:s22], [sflag:$0x1] =	stream.indirect_vreg.gather [hbm4b:s3+s2], $0x80, v3, vm0, $0xb8;
	[tilespmem:$0x18080] =	vst v63  }
0xad: {  	_ = 	snop  }
0xae: {  	[tilespmem:s23], [sflag:$0x1] =	stream.indirect_vreg.gather [hbm4b:s4+s2], $0x80, v3, vm0, $0xb8;
	[tilespmem:$0x18080] =	vst v63  }
0xaf: {  	_ = 	snop  }
0xb0: {  	[tilespmem:s24], [sflag:$0x1] =	stream.indirect_vreg.gather [hbm4b:s5+s2], $0x80, v3, vm0, $0xb8;
	[tilespmem:$0x18080] =	vst v63  }
0xb1: {  	v3 =	vld [tilespmem:$0x70];
	_ =	sdelay $0x4  }
0xb2: {  	v63 =	vshrl.u32 v3, $0x3  }
0xb3: {  	v4 =	vmul.u32 $0x30, v63  }
0xb4: {  	v3 =	vand.u32 $0x7, v3  }
0xb5: {  	v3 =	vor.u32 v3, v4  }
0xb6: {  	v4 =	vperm.xlane v3, v0;
	_ =	sdelay $0x1  }
0xb7: {  	v4 =	vadd.s32 v1, v4;
	_ =	sdelay $0x3  }
0xb8: {  	v3 =	vperm.xlane v3, v2  }
0xb9: {  	[tilespmem:s25], [sflag:$0x1] =	stream.indirect_vreg.gather [hbm4b:s3+s2], $0x80, v4, vm0, $0xb8;
	[tilespmem:$0x18080] =	vst v63  }
0xba: {  	v3 =	vadd.s32 v1, v3  }
0xbb: {  	[tilespmem:s26], [sflag:$0x1] =	stream.indirect_vreg.gather [hbm4b:s4+s2], $0x80, v4, vm0, $0xb8;
	[tilespmem:$0x18080] =	vst v63  }
0xbc: {  	_ = 	snop  }
0xbd: {  	[tilespmem:s28], [sflag:$0x1] =	stream.indirect_vreg.gather [hbm4b:s5+s2], $0x80, v4, vm0, $0xb8;
	[tilespmem:$0x18080] =	vst v63  }
0xbe: {  	_ = 	snop  }
0xbf: {  	[tilespmem:s29], [sflag:$0x1] =	stream.indirect_vreg.gather [hbm4b:s3+s2], $0x80, v3, vm0, $0xb8;
	[tilespmem:$0x18080] =	vst v63  }
0xc0: {  	_ = 	snop  }
0xc1: {  	[tilespmem:s30], [sflag:$0x1] =	stream.indirect_vreg.gather [hbm4b:s4+s2], $0x80, v3, vm0, $0xb8;
	[tilespmem:$0x18080] =	vst v63  }
0xc2: {  	_ = 	snop  }
0xc3: {  	[tilespmem:s31], [sflag:$0x1] =	stream.indirect_vreg.gather [hbm4b:s5+s2], $0x80, v3, vm0, $0xb8;
	[tilespmem:$0x18080] =	vst v63  }
0xc4: {  	_ =	swait.ge [sflag:s1], $0x18000  }
0xc5: {  	p0 =	sne.s32 s6, $0x1;
	[sflag:s1] =	ssyncset.done $0x0  }
.Ltmp0:
0xc6: {  	s9 =	rddreg [dreg:$0x3];
	[sflag:s1] =	ssyncadd.s32 $0xFFFE8000;
	(pc) =	sbr.rel @p0 .LBB2_1-.Ltmp0, $4  }
0xc7: {  	[hbm4b:s9+s2] =	stream.linear.scatter [tilespmem:s8], [sflag:$0x2], $0x18000, $0x38;
	[tilespmem:$0x18080] =	vst v63  }
0xc8: {  	_ =	swait.ge [sflag:s7], $0x18000  }
0xc9: {  	[sflag:s7] =	ssyncset.done $0x0  }
0xca: {  	s6 =	sadd.s32 $0xFFFFFFFF, s6;
	[sflag:s7] =	ssyncadd.s32 $0xFFFE8000  }
0xcb: {  	_ =	sfence.sel $0x180000  }
0xcc: {  	[bflag:$0x0] =	sbarrier.arrive $0xFFFF  }
0xcd: {  	_ =	strace $0x9000004A  }
0xce: {  	s0 =	stileid.u32;
	[bflag:$0x2] =	sbarrier.arrive $0xFFFF  }
0xcf: {  	p0 =	sne.s32 s0, $0x0;
	s0 =	rddreg [dreg:$0x1]  }
0xd0: {  	s0 =	sadd.s32 @!p0 $0x100000, s0  }
0xd1: {  	[sflag:s0] =	ssyncadd.tile.s32 @!p0 $0x1;
	_ =	shalt  }
.Lfunc_end2:
_tile_overlayer_lowered:
.L_overlay_start_2:
0xd2: {  	(tag) =	ssettag $0x2  }
0xd3: {  	s0 =	rddreg [dreg:$0x0];
	s2 =	stileid.u32  }
0xd4: {  	s1 =	rddreg [dreg:$0x1];
	p0 =	sne.s32 s2, $0x0  }
0xd5: {  	s3 =	rddreg [dreg:$0x2];
	[bflag:$0x3] =	sbarrier.arrive $0xFFFF;
	s2 =	simm.s32 @!p0 $0x1C02  }
0xd6: {  	[timem:s3], [sflag:s2] =	dma.local @!p0 [hbm:s0], s1  }
0xd7: {  	s0 =	simm.s32 @!p0 $0x2  }
0xd8: {  	_ =	swait.ge @!p0 [sflag:s0], s1  }
0xd9: {  	s1 =	ssub.s32 @!p0 $0x0, s1;
	[sflag:s0] =	ssyncset.done @!p0 $0x0  }
0xda: {  	[sflag:s0] =	ssyncadd.s32 @!p0 s1  }
0xdb: {  	[bflag:$0x3] =	sbarrier.arrive $0xFFFF  }
0xdc: {  	_ =	shalt  }

// kernel: kernel.8.cloned.1.call-start
scs
__scs_entry_jumppad:
0x0: {  	(pc) =	sbr.rel $0x88, $3  }
0x1: {  	(tag) =	ssettag $0x0;
	lr =	simm.s32 $0x1  }
0x2: {  	[smem:$0x3F99] =	sst lr;
	_ =	strace $0xD0000000  }
0x3: {  	_ = 	snop  }
0x4: {  	_ = 	snop  }
0x5: {  	_ = 	snop  }
0x6: {  	_ = 	snop  }
0x7: {  	_ = 	snop  }
__scs_overlays_trampoline_lowered:
0x8: {  	[smem:$0x3FA8] =	sst s0  }
0x9: {  	[smem:$0x3FA9] =	sst s1  }
0xa: {  	[smem:$0x3FAA] =	sst s2  }
0xb: {  	[smem:$0x3FAB] =	sst s3  }
0xc: {  	[smem:$0x3FAC] =	sst s4  }
0xd: {  	[smem:$0x3FAD] =	sst s5  }
0xe: {  	[smem:$0x3FAE] =	sst s6  }
0xf: {  	[smem:$0x3FAF] =	sst s7  }
0x10: {  	[smem:$0x3FB0] =	sst s8  }
0x11: {  	[smem:$0x3FB1] =	sst s9;
	s0 =	simm.s32 @!p0 $0x0  }
0x12: {  	s1 =	sld [smem:$0x3F97];
	s0 =	simm.s32 @p0 $0x1  }
0x13: {  	[smem:$0x3FB2] =	sst s0;
	s0 =	simm.s32 @!p1 $0x0  }
0x14: {  	s2 =	sld [smem:$0x3F96];
	s0 =	simm.s32 @p1 $0x1  }
0x15: {  	[smem:$0x3FB3] =	sst s0;
	s0 =	simm.s32 @!p2 $0x0  }
0x16: {  	s3 =	sld [smem:$0x3FDB];
	s0 =	simm.s32 @p2 $0x1  }
0x17: {  	s4 =	simm.s32 $0x1BF5;
	[smem:$0x3FB5] =	sst s0  }
0x18: {  	s0 =	sld [smem:$0x3F98];
	_ =	swait.ge [sflag:s4], $0x0  }
0x19: {  	s7 =	sld [smem:$0x3F99]  }
0x1a: {  	s8 =	sadd.s32 $0xFFFFE003, lr  }
0x1b: {  	s9 =	sadd.s32 $0xFFFFFEF7, lr;
	s5 =	simm.s32 $0xFFFFFFFF;
	p2 =	slt.u32 s8, $0xFFFFF086  }
0x1c: {  	p1 =	slt.u32 s9, $0xF7A;
	s5 =	simm.s32 @!p2 $0x0  }
0x1d: {  	s5 =	simm.s32 @p1 $0x1;
	p0 =	seq.s32 s7, s2  }
0x1e: {  	s7 =	smul.u32 @!p0 $0xF7A, s2;
	p2 =	seq.s32 @!p0 s5, $0x0  }
0x1f: {  	s9 =	smul.u32 $0xF7A, s1;
	s8 =	simm.s32 @!p0 $0x1BF5;
	p2 =	por !p2, p0  }
0x20: {  	[sflag:s8] =	ssyncset.s32 @!p0 $0xFFFFF086;
	s6 =	sadd.s32 @!p0 s3, s7;
	s7 =	simm.s32 @!p0 $0x108  }
0x21: {  	s3 =	sadd.s32 s3, s9;
	s6 =	sadd.s32 @!p0 $0x88, s6;
	s7 =	simm.s32 @p2 $0x1082  }
0x22: {  	[simem:s7], [sflag:s8] =	dma.local @!p0 [hbm:s6], $0xF7A  }
0x23: {  	s9 =	sor.u32 $0xD0000000, s2;
	s6 =	simm.s32 $0x108;
	_ =	swait.ge @!p0 [sflag:s8], $0x0  }
0x24: {  	s3 =	sadd.s32 $0x88, s3;
	s6 =	simm.s32 @!p1 $0x1082;
	[sflag:s4] =	ssyncset.s32 $0xFFFFF086  }
0x25: {  	[simem:s6], [sflag:s4] =	dma.local [hbm:s3], $0xF7A  }
0x26: {  	[smem:$0x3F99] =	sst s1;
	(tag) =	ssettag s2;
	_ =	strace s9  }
0x27: {  	s1 =	sld [smem:$0x3FA9]  }
0x28: {  	s2 =	sld [smem:$0x3FAA]  }
0x29: {  	s4 =	sld [smem:$0x3FAC]  }
0x2a: {  	p0 =	seq.s32 s5, $0x0;
	s5 =	sld [smem:$0x3FAD]  }
0x2b: {  	s6 =	sld [smem:$0x3FAE]  }
0x2c: {  	s7 =	sld [smem:$0x3FAF]  }
0x2d: {  	s3 =	simm.s32 $0x108;
	s8 =	sld [smem:$0x3FB0]  }
0x2e: {  	s3 =	simm.s32 @!p0 $0x1082;
	s9 =	sld [smem:$0x3FB1]  }
0x2f: {  	lr =	sadd.s32 s0, s3;
	s0 =	sld [smem:$0x3FA8]  }
0x30: {  	s3 =	sld [smem:$0x3FAB]  }
0x31: {  	[smem:$0x3FB4] =	sst s10  }
0x32: {  	s10 =	sld [smem:$0x3FB2];
	_ =	sdelay $0x3  }
0x33: {  	p0 =	seq.s32 s10, $0x1;
	s10 =	sld [smem:$0x3FB4];
	_ =	sdelay $0x3  }
0x34: {  	[smem:$0x3FB4] =	sst s10  }
0x35: {  	s10 =	sld [smem:$0x3FB3];
	_ =	sdelay $0x3  }
0x36: {  	p1 =	seq.s32 s10, $0x1;
	s10 =	sld [smem:$0x3FB4];
	_ =	sdelay $0x3  }
0x37: {  	[smem:$0x3FB4] =	sst s10  }
0x38: {  	s10 =	sld [smem:$0x3FB5]  }
0x39: {  	_ = 	snop;
	(pc) =	sbr.ind lr, $3  }
0x3a: {  	_ = 	snop  }
0x3b: {  	_ = 	snop  }
0x3c: {  	p2 =	seq.s32 s10, $0x1;
	s10 =	sld [smem:$0x3FB4]  }
0x3d: {  	_ =	shalt  }
0x3e: {  	_ =	shalt  }
0x3f: {  	_ =	shalt  }
0x40: {  	_ =	shalt  }
0x41: {  	_ =	shalt  }
0x42: {  	_ =	shalt  }
0x43: {  	_ =	shalt  }
0x44: {  	_ =	shalt  }
0x45: {  	_ =	shalt  }
0x46: {  	_ =	shalt  }
0x47: {  	_ =	shalt  }
0x48: {  	_ =	shalt  }
0x49: {  	_ =	shalt  }
0x4a: {  	_ =	shalt  }
0x4b: {  	_ =	shalt  }
0x4c: {  	_ =	shalt  }
0x4d: {  	_ =	shalt  }
0x4e: {  	_ =	shalt  }
0x4f: {  	_ =	shalt  }
0x50: {  	_ =	shalt  }
0x51: {  	_ =	shalt  }
0x52: {  	_ =	shalt  }
0x53: {  	_ =	shalt  }
0x54: {  	_ =	shalt  }
0x55: {  	_ =	shalt  }
0x56: {  	_ =	shalt  }
0x57: {  	_ =	shalt  }
0x58: {  	_ =	shalt  }
0x59: {  	_ =	shalt  }
0x5a: {  	_ =	shalt  }
0x5b: {  	_ =	shalt  }
0x5c: {  	_ =	shalt  }
0x5d: {  	_ =	shalt  }
0x5e: {  	_ =	shalt  }
0x5f: {  	_ =	shalt  }
0x60: {  	_ =	shalt  }
0x61: {  	_ =	shalt  }
0x62: {  	_ =	shalt  }
0x63: {  	_ =	shalt  }
0x64: {  	_ =	shalt  }
0x65: {  	_ =	shalt  }
0x66: {  	_ =	shalt  }
0x67: {  	_ =	shalt  }
0x68: {  	_ =	shalt  }
0x69: {  	_ =	shalt  }
0x6a: {  	_ =	shalt  }
0x6b: {  	_ =	shalt  }
0x6c: {  	_ =	shalt  }
0x6d: {  	_ =	shalt  }
0x6e: {  	_ =	shalt  }
0x6f: {  	_ =	shalt  }
0x70: {  	_ =	shalt  }
0x71: {  	_ =	shalt  }
0x72: {  	_ =	shalt  }
0x73: {  	_ =	shalt  }
0x74: {  	_ =	shalt  }
0x75: {  	_ =	shalt  }
0x76: {  	_ =	shalt  }
0x77: {  	_ =	shalt  }
0x78: {  	_ =	shalt  }
0x79: {  	_ =	shalt  }
0x7a: {  	_ =	shalt  }
0x7b: {  	_ =	shalt  }
0x7c: {  	_ =	shalt  }
0x7d: {  	_ =	shalt  }
0x7e: {  	_ =	shalt  }
0x7f: {  	_ =	shalt  }
0x80: {  	_ =	shalt  }
0x81: {  	_ =	shalt  }
0x82: {  	_ =	shalt  }
0x83: {  	_ =	shalt  }
0x84: {  	_ =	shalt  }
0x85: {  	_ =	shalt  }
0x86: {  	_ =	shalt  }
0x87: {  	_ =	shalt  }
.Lfunc_end0:
.L_simem_size_0:
called_computation_lowered:
.L_overlay_start_0:
0x88: {  	s2 =	sld [smem:$0x3FD9]  }
0x89: {  	s3 =	sld [smem:$0x3FFE];
	_ =	sdelay $0x1  }
0x8a: {  	s1 =	srdreg.scid  }
0x8b: {  	s0 =	sand.u32 $0x1, s1  }
0x8c: {  	s17 =	sshll.u32 s0, $0xA;
	s2 =	sadd.s32 s3, s2  }
0x8d: {  	s2 =	sadd.s32 s2, s17  }
0x8e: {  	[smem:$0x3FC0] =	sst s2  }
0x8f: {  	_ = 	snop  }
0x90: {  	s2 =	sld [smem:$0x3FC9];
	(tm) =	ssettm $0x1  }
0x91: {  	s18 =	sld [smem:$0x3FFB];
	_ =	sdelay $0x3  }
0x92: {  	_ =	strace s18  }
0x93: {  	s3 =	sld [smem:$0x3FFC];
	_ =	sdelay $0x3  }
0x94: {  	_ =	strace s3  }
0x95: {  	s3 =	sld [smem:$0x3FFD];
	_ =	sdelay $0x3  }
0x96: {  	_ =	strace s3  }
0x97: {  	_ =	strace $0x8FFFFFFF  }
0x98: {  	s19 =	sld [smem:$0x3FDB];
	_ =	sdelay $0x1  }
0x99: {  	s4 =	simm.s32 $_scs_section_size  }
0x9a: {  	s5 =	simm.s32 $_size__tile_overlayer_lowered;
	s6 =	simm.s32 $_tile_overlayer_lowered  }
0x9b: {  	s22 =	simm.s32 $0x1BFF;
	s21 =	sshll.u32 s6, $0x1;
	s3 =	sadd.s32 s4, s19  }
0x9c: {  	s7 =	simm.s32 $0x0;
	s20 =	sshll.u32 s5, $0x1;
	s5 =	sadd.s32 s21, s3  }
0x9d: {  	[timem:s7], [sflag:s22] =	dma.local [hbm:s5], s20  }
0x9e: {  	_ =	swait.ge [sflag:s22], s20  }
0x9f: {  	s4 =	ssub.s32 $0x0, s20;
	[sflag:s22] =	ssyncset.done $0x0  }
0xa0: {  	[sflag:s22] =	ssyncadd.s32 s4;
	_ =	sdelay $0x1  }
0xa1: {  	s23 =	simm.s32 $0x1B8B  }
0xa2: {  	_ =	swait.ge [sflag:s23], $0x1  }
0xa3: {  	[sflag:s23] =	ssyncset.done $0x0  }
0xa4: {  	s25 =	simm.s32 $0x1B8E;
	s24 =	sld [smem:$0x3FFE];
	[sflag:s23] =	ssyncadd.s32 $0xFFFFFFFF  }
0xa5: {  	s26 =	simm.s32 $execute0_lowered;
	[smem:$0x3FD2] =	sst s25  }
0xa6: {  	s5 =	sshll.u32 s26, $0x1;
	_ =	strace $0x80000046;
	[dreg:$0x1] =	wrdreg $0xFFFFFFFF  }
0xa7: {  	s28 =	simm.s32 $_size_execute0_lowered;
	s3 =	sadd.s32 s3, s5;
	[dreg:$0x0] =	wrdreg $0x0  }
0xa8: {  	s5 =	sshll.u32 s28, $0x1;
	[dreg:$0x2] =	wrdreg s3  }
0xa9: {  	[dreg:$0x3] =	wrdreg s5  }
0xaa: {  	[dreg:$0x4] =	wrdreg $0xC0  }
0xab: {  	_ =	task [dreg:s7], $0x5FFFF  }
0xac: {  	[dreg:$0x1] =	wrdreg $0xFFFFFFFF  }
0xad: {  	[dreg:$0x0] =	wrdreg $0x60  }
0xae: {  	[dreg:$0x2] =	wrdreg s2  }
0xaf: {  	[dreg:$0x3] =	wrdreg s24  }
0xb0: {  	[dreg:$0x4] =	wrdreg $0x9  }
0xb1: {  	_ =	task.clear_ibuf [dreg:s7], $0x5FFFF;
	_ =	strace $0x90000046  }
0xb2: {  	s29 =	simm.s32 $0x9;
	_ =	strace $0x80000048  }
0xb3: {  	_ =	swait.ge [sflag:s29], $0x1  }
0xb4: {  	[sflag:s29] =	ssyncadd.s32 $0xFFFFFFFF  }
0xb5: {  	_ =	strace $0x90000048  }
0xb6: {  	_ =	sfence  }
0xb7: {  	s30 =	sld [smem:$0x0];
	_ =	sdelay $0x2  }
0xb8: {  	s31 =	sshll.u32 s1, $0xD;
	s1 =	sshrl.u32 s1, $0x2  }
0xb9: {  	s3 =	sand.u32 $0x4000, s31;
	s1 =	sadd.s32 s1, s30  }
0xba: {  	s0 =	sor.u32 s3, s0;
	s1 =	sshll.u32 s1, $0x11  }
0xbb: {  	s0 =	sor.u32 s1, s0  }
0xbc: {  	s0 =	sadd.s32 $0x8F2B, s0  }
0xbd: {  	[sflag:s0] =	ssyncadd.remote.s32 $0x1  }
0xbe: {  	_ =	sfence.sel $0xFFFF  }
0xbf: {  	[dreg:$0x0] =	wrdreg $0xFFFFFFFF;
	(pc) =	sbr.abs _section_cstart, $3  }
0xc0: {  	[dreg:$0x1] =	wrdreg $0xFFFFFFFF  }
0xc1: {  	_ =	task.clear_ibuf [dreg:s7], $0x2FFFF;
	_ =	strace $0x9FFFFFFF  }
0xc2: {  	(tm) =	ssettm $0x7FFFFFFF  }
0xc3: {  	_ =	shalt  }
tec
execute0_lowered:
.L_overlay_start_1:
0x0: {  	(tag) =	ssettag $0x1  }
0x1: {  	s1 =	srdreg.scid  }
0x2: {  	s0 =	stileid.u32;
	s1 =	sand.u32 $0x1, s1  }
0x3: {  	s3 =	rddreg [dreg:$0x0];
	s2 =	sshll.u32 s0, $0x5;
	s4 =	sshll.u32 s1, $0x4  }
0x4: {  	s5 =	rddreg [dreg:$0x1];
	s4 =	sor.u32 s4, s2;
	s2 =	simm.s32 $0x0  }
0x5: {  	s25 =	simm.s32 $0x880;
	[smem:$0x7FF] =	sst s2  }
0x6: {  	s26 =	simm.s32 $0x1080;
	_ =	strace $0x80000047;
	[dreg:$0x5] =	wrdreg s25  }
0x7: {  	s0 =	simm.s32 $0x1880;
	[dreg:$0x6] =	wrdreg s26  }
0x8: {  	s7 =	simm.s32 $0x3080;
	[dreg:$0x7] =	wrdreg s0  }
0x9: {  	s8 =	simm.s32 $0x3880;
	[dreg:$0xa] =	wrdreg s7  }
0xa: {  	s9 =	simm.s32 $0x4080;
	[dreg:$0xb] =	wrdreg s8  }
0xb: {  	s10 =	simm.s32 $0x4880;
	[dreg:$0xc] =	wrdreg s9  }
0xc: {  	s11 =	simm.s32 $0x5080;
	s12 =	simm.s32 $0x5880;
	[dreg:$0xd] =	wrdreg s10  }
0xd: {  	s13 =	simm.s32 $0x6080;
	s14 =	simm.s32 $0x6880;
	[dreg:$0xe] =	wrdreg s11  }
0xe: {  	s15 =	simm.s32 $0x7080;
	s16 =	simm.s32 $0x7880;
	[dreg:$0xf] =	wrdreg s12  }
0xf: {  	s17 =	simm.s32 $0x8080;
	s18 =	simm.s32 $0x8880;
	[dreg:$0x10] =	wrdreg s13  }
0x10: {  	s19 =	simm.s32 $0x9080;
	s21 =	simm.s32 $0x9880;
	[dreg:$0x11] =	wrdreg s14  }
0x11: {  	s22 =	simm.s32 $0xA080;
	s23 =	simm.s32 $0xA880;
	[dreg:$0x12] =	wrdreg s15  }
0x12: {  	s24 =	simm.s32 $0xB880;
	s28 =	simm.s32 $0x16080;
	[dreg:$0x13] =	wrdreg s16  }
0x13: {  	s29 =	simm.s32 $0x16880;
	s30 =	simm.s32 $0x17080;
	[dreg:$0x14] =	wrdreg s17  }
0x14: {  	s31 =	simm.s32 $0x17880;
	s1 =	ssub.s32 $0x2, s1;
	[dreg:$0x15] =	wrdreg s18  }
0x15: {  	s20 =	sshrl.u32 s1, $0x1;
	s6 =	sand.u32 $0xF0, s4;
	[dreg:$0x16] =	wrdreg s19  }
0x16: {  	s4 =	sadd.s32 s4, s5;
	s1 =	ssub.s32 s1, s20;
	[dreg:$0x17] =	wrdreg s21  }
0x17: {  	s20 =	simm.s32 $0x12880;
	s6 =	smul.u32 $0x300, s6;
	[dreg:$0x18] =	wrdreg s22  }
0x18: {  	s4 =	sadd.s32 $0xE00, s4;
	[dreg:$0x19] =	wrdreg s23;
	s7 =	simm.s32 $0xB080  }
0x19: {  	[dreg:$0x1b] =	wrdreg s24;
	s25 =	simm.s32 $0xC080;
	s8 =	simm.s32 $0x80  }
0x1a: {  	s26 =	simm.s32 $0xC880;
	s10 =	simm.s32 $0xD880;
	s11 =	simm.s32 $0xE080  }
0x1b: {  	s12 =	simm.s32 $0xE880;
	s13 =	simm.s32 $0xF080;
	s14 =	simm.s32 $0xF880  }
0x1c: {  	s15 =	simm.s32 $0x10080;
	s16 =	simm.s32 $0x10880;
	s17 =	simm.s32 $0x11080  }
0x1d: {  	s18 =	simm.s32 $0x11880;
	s19 =	simm.s32 $0x12080;
	[dreg:$0x3] =	wrdreg s4  }
0x1e: {  	s21 =	simm.s32 $0x13080;
	s22 =	simm.s32 $0x13880;
	[dreg:$0x1a] =	wrdreg s7  }
0x1f: {  	s23 =	simm.s32 $0x14080;
	s24 =	simm.s32 $0x14880;
	[dreg:$0x1c] =	wrdreg s25  }
0x20: {  	s4 =	simm.s32 $0x2080;
	s7 =	simm.s32 $0x2;
	[dreg:$0x1d] =	wrdreg s26  }
0x21: {  	s25 =	simm.s32 $0x15080;
	s3 =	sadd.s32 s3, s6;
	[dreg:$0x8] =	wrdreg s4  }
0x22: {  	v2 =	vlaneseq.u32;
	s26 =	simm.s32 $0x15880;
	s6 =	simm.s32 $0x2880;
	[dreg:$0x4] =	wrdreg s3  }
0x23: {  	vm0 =	vmmov $0xffff;
	v1 =	vshrl.u32 v2, $0x3;
	s4 =	sadd.s32 $0x1100, s5;
	[dreg:$0x9] =	wrdreg s6;
	s3 =	sadd.s32 $0x1000, s5  }
0x24: {  	v0 =	vand.u32 $0x7, v2;
	v2 =	vor.u32 $0x8, v2;
	v1 =	vmul.u32 $0x8, v1;
	s5 =	sadd.s32 $0x1200, s5;
	s6 =	smax.u32 s1, $0x1;
	s1 =	simm.s32 $0x1  }
.LBB2_1:
0x25: {  	s0 =	rddreg [dreg:$0x3]  }
0x26: {  	[tilespmem:s2], [sflag:$0x2] =	stream.linear.gather [hbm4b:s0+s2], $0x80, $0x38;
	[tilespmem:$0x18080] =	vst v63  }
0x27: {  	_ =	swait.ge [sflag:s7], $0x80  }
0x28: {  	[sflag:s7] =	ssyncset.done $0x0  }
0x29: {  	s9 =	rddreg [dreg:$0x4];
	[sflag:s7] =	ssyncadd.s32 $0xFFFFFF80  }
0x2a: {  	[tilespmem:s8], [sflag:$0x2] =	stream.linear.gather [hbm4b:s9+s2], $0x18000, $0x38;
	[tilespmem:$0x18080] =	vst v63  }
0x2b: {  	_ =	swait.ge [sflag:s7], $0x18000  }
0x2c: {  	[sflag:s7] =	ssyncset.done $0x0  }
0x2d: {  	[sflag:s7] =	ssyncadd.s32 $0xFFFE8000  }
0x2e: {  	v3 =	vld [tilespmem:$0x0];
	_ =	sdelay $0x4  }
0x2f: {  	v4 =	vshrl.u32 v3, $0x3  }
0x30: {  	v4 =	vmul.u32 $0x30, v4  }
0x31: {  	v3 =	vand.u32 $0x7, v3  }
0x32: {  	v3 =	vor.u32 v3, v4  }
0x33: {  	v4 =	vperm.xlane v3, v0;
	_ =	sdelay $0x1  }
0x34: {  	v4 =	vadd.s32 v1, v4;
	_ =	sdelay $0x3  }
0x35: {  	v3 =	vperm.xlane v3, v2  }
0x36: {  	[hbm4b:s3+s2] =	stream.indirect_vreg.scatter [tilespmem:s8], [sflag:$0x1], $0x80, v4, vm0, $0xb8;
	[tilespmem:$0x18080] =	vst v63  }
0x37: {  	s0 =	rddreg [dreg:$0x5];
	v3 =	vadd.s32 v1, v3  }
0x38: {  	[hbm4b:s4+s2] =	stream.indirect_vreg.scatter [tilespmem:s0], [sflag:$0x1], $0x80, v4, vm0, $0xb8;
	[tilespmem:$0x18080] =	vst v63  }
0x39: {  	s9 =	rddreg [dreg:$0x6]  }
0x3a: {  	[hbm4b:s5+s2] =	stream.indirect_vreg.scatter [tilespmem:s9], [sflag:$0x1], $0x80, v4, vm0, $0xb8;
	[tilespmem:$0x18080] =	vst v63  }
0x3b: {  	s0 =	rddreg [dreg:$0x7]  }
0x3c: {  	[hbm4b:s3+s2] =	stream.indirect_vreg.scatter [tilespmem:s0], [sflag:$0x1], $0x80, v3, vm0, $0xb8;
	[tilespmem:$0x18080] =	vst v63  }
0x3d: {  	s9 =	rddreg [dreg:$0x8]  }
0x3e: {  	[hbm4b:s4+s2] =	stream.indirect_vreg.scatter [tilespmem:s9], [sflag:$0x1], $0x80, v3, vm0, $0xb8;
	[tilespmem:$0x18080] =	vst v63  }
0x3f: {  	s0 =	rddreg [dreg:$0x9]  }
0x40: {  	[hbm4b:s5+s2] =	stream.indirect_vreg.scatter [tilespmem:s0], [sflag:$0x1], $0x80, v3, vm0, $0xb8;
	[tilespmem:$0x18080] =	vst v63  }
0x41: {  	v3 =	vld [tilespmem:$0x10];
	_ =	sdelay $0x4  }
0x42: {  	v57 =	vshrl.u32 v3, $0x3  }
0x43: {  	v4 =	vmul.u32 $0x30, v57  }
0x44: {  	v3 =	vand.u32 $0x7, v3  }
0x45: {  	v3 =	vor.u32 v3, v4  }
0x46: {  	v4 =	vperm.xlane v3, v0;
	_ =	sdelay $0x1  }
0x47: {  	v4 =	vadd.s32 v1, v4;
	_ =	sdelay $0x3  }
0x48: {  	s0 =	rddreg [dreg:$0xa];
	v3 =	vperm.xlane v3, v2  }
0x49: {  	[hbm4b:s3+s2] =	stream.indirect_vreg.scatter [tilespmem:s0], [sflag:$0x1], $0x80, v4, vm0, $0xb8;
	[tilespmem:$0x18080] =	vst v63  }
0x4a: {  	s9 =	rddreg [dreg:$0xb];
	v3 =	vadd.s32 v1, v3  }
0x4b: {  	[hbm4b:s4+s2] =	stream.indirect_vreg.scatter [tilespmem:s9], [sflag:$0x1], $0x80, v4, vm0, $0xb8;
	[tilespmem:$0x18080] =	vst v63  }
0x4c: {  	s0 =	rddreg [dreg:$0xc]  }
0x4d: {  	[hbm4b:s5+s2] =	stream.indirect_vreg.scatter [tilespmem:s0], [sflag:$0x1], $0x80, v4, vm0, $0xb8;
	[tilespmem:$0x18080] =	vst v63  }
0x4e: {  	s9 =	rddreg [dreg:$0xd]  }
0x4f: {  	[hbm4b:s3+s2] =	stream.indirect_vreg.scatter [tilespmem:s9], [sflag:$0x1], $0x80, v3, vm0, $0xb8;
	[tilespmem:$0x18080] =	vst v63  }
0x50: {  	s0 =	rddreg [dreg:$0xe]  }
0x51: {  	[hbm4b:s4+s2] =	stream.indirect_vreg.scatter [tilespmem:s0], [sflag:$0x1], $0x80, v3, vm0, $0xb8;
	[tilespmem:$0x18080] =	vst v63  }
0x52: {  	s9 =	rddreg [dreg:$0xf]  }
0x53: {  	[hbm4b:s5+s2] =	stream.indirect_vreg.scatter [tilespmem:s9], [sflag:$0x1], $0x80, v3, vm0, $0xb8;
	[tilespmem:$0x18080] =	vst v63  }
0x54: {  	v3 =	vld [tilespmem:$0x20];
	_ =	sdelay $0x4  }
0x55: {  	v58 =	vshrl.u32 v3, $0x3  }
0x56: {  	v4 =	vmul.u32 $0x30, v58  }
0x57: {  	v3 =	vand.u32 $0x7, v3  }
0x58: {  	v3 =	vor.u32 v3, v4  }
0x59: {  	v4 =	vperm.xlane v3, v0;
	_ =	sdelay $0x1  }
0x5a: {  	v4 =	vadd.s32 v1, v4;
	_ =	sdelay $0x3  }
0x5b: {  	s0 =	rddreg [dreg:$0x10];
	v3 =	vperm.xlane v3, v2  }
0x5c: {  	[hbm4b:s3+s2] =	stream.indirect_vreg.scatter [tilespmem:s0], [sflag:$0x1], $0x80, v4, vm0, $0xb8;
	[tilespmem:$0x18080] =	vst v63  }
0x5d: {  	s9 =	rddreg [dreg:$0x11];
	v3 =	vadd.s32 v1, v3  }
0x5e: {  	[hbm4b:s4+s2] =	stream.indirect_vreg.scatter [tilespmem:s9], [sflag:$0x1], $0x80, v4, vm0, $0xb8;
	[tilespmem:$0x18080] =	vst v63  }
0x5f: {  	s0 =	rddreg [dreg:$0x12]  }
0x60: {  	[hbm4b:s5+s2] =	stream.indirect_vreg.scatter [tilespmem:s0], [sflag:$0x1], $0x80, v4, vm0, $0xb8;
	[tilespmem:$0x18080] =	vst v63  }
0x61: {  	s9 =	rddreg [dreg:$0x13]  }
0x62: {  	[hbm4b:s3+s2] =	stream.indirect_vreg.scatter [tilespmem:s9], [sflag:$0x1], $0x80, v3, vm0, $0xb8;
	[tilespmem:$0x18080] =	vst v63  }
0x63: {  	s0 =	rddreg [dreg:$0x14]  }
0x64: {  	[hbm4b:s4+s2] =	stream.indirect_vreg.scatter [tilespmem:s0], [sflag:$0x1], $0x80, v3, vm0, $0xb8;
	[tilespmem:$0x18080] =	vst v63  }
0x65: {  	s9 =	rddreg [dreg:$0x15]  }
0x66: {  	[hbm4b:s5+s2] =	stream.indirect_vreg.scatter [tilespmem:s9], [sflag:$0x1], $0x80, v3, vm0, $0xb8;
	[tilespmem:$0x18080] =	vst v63  }
0x67: {  	v3 =	vld [tilespmem:$0x30];
	_ =	sdelay $0x4  }
0x68: {  	v59 =	vshrl.u32 v3, $0x3  }
0x69: {  	v4 =	vmul.u32 $0x30, v59  }
0x6a: {  	v3 =	vand.u32 $0x7, v3  }
0x6b: {  	v3 =	vor.u32 v3, v4  }
0x6c: {  	v4 =	vperm.xlane v3, v0;
	_ =	sdelay $0x1  }
0x6d: {  	v4 =	vadd.s32 v1, v4;
	_ =	sdelay $0x3  }
0x6e: {  	s0 =	rddreg [dreg:$0x16];
	v3 =	vperm.xlane v3, v2  }
0x6f: {  	[hbm4b:s3+s2] =	stream.indirect_vreg.scatter [tilespmem:s0], [sflag:$0x1], $0x80, v4, vm0, $0xb8;
	[tilespmem:$0x18080] =	vst v63  }
0x70: {  	s9 =	rddreg [dreg:$0x17];
	v3 =	vadd.s32 v1, v3  }
0x71: {  	[hbm4b:s4+s2] =	stream.indirect_vreg.scatter [tilespmem:s9], [sflag:$0x1], $0x80, v4, vm0, $0xb8;
	[tilespmem:$0x18080] =	vst v63  }
0x72: {  	s0 =	rddreg [dreg:$0x18]  }
0x73: {  	[hbm4b:s5+s2] =	stream.indirect_vreg.scatter [tilespmem:s0], [sflag:$0x1], $0x80, v4, vm0, $0xb8;
	[tilespmem:$0x18080] =	vst v63  }
0x74: {  	s9 =	rddreg [dreg:$0x19]  }
0x75: {  	[hbm4b:s3+s2] =	stream.indirect_vreg.scatter [tilespmem:s9], [sflag:$0x1], $0x80, v3, vm0, $0xb8;
	[tilespmem:$0x18080] =	vst v63  }
0x76: {  	s0 =	rddreg [dreg:$0x1a]  }
0x77: {  	[hbm4b:s4+s2] =	stream.indirect_vreg.scatter [tilespmem:s0], [sflag:$0x1], $0x80, v3, vm0, $0xb8;
	[tilespmem:$0x18080] =	vst v63  }
0x78: {  	s9 =	rddreg [dreg:$0x1b]  }
0x79: {  	[hbm4b:s5+s2] =	stream.indirect_vreg.scatter [tilespmem:s9], [sflag:$0x1], $0x80, v3, vm0, $0xb8;
	[tilespmem:$0x18080] =	vst v63  }
0x7a: {  	v3 =	vld [tilespmem:$0x40];
	_ =	sdelay $0x4  }
0x7b: {  	v60 =	vshrl.u32 v3, $0x3  }
0x7c: {  	v4 =	vmul.u32 $0x30, v60  }
0x7d: {  	v3 =	vand.u32 $0x7, v3  }
0x7e: {  	v3 =	vor.u32 v3, v4  }
0x7f: {  	v4 =	vperm.xlane v3, v0;
	_ =	sdelay $0x1  }
0x80: {  	v4 =	vadd.s32 v1, v4;
	_ =	sdelay $0x3  }
0x81: {  	s0 =	rddreg [dreg:$0x1c];
	v3 =	vperm.xlane v3, v2  }
0x82: {  	[hbm4b:s3+s2] =	stream.indirect_vreg.scatter [tilespmem:s0], [sflag:$0x1], $0x80, v4, vm0, $0xb8;
	[tilespmem:$0x18080] =	vst v63  }
0x83: {  	s9 =	rddreg [dreg:$0x1d];
	v3 =	vadd.s32 v1, v3  }
0x84: {  	[hbm4b:s4+s2] =	stream.indirect_vreg.scatter [tilespmem:s9], [sflag:$0x1], $0x80, v4, vm0, $0xb8;
	[tilespmem:$0x18080] =	vst v63  }
0x85: {  	s9 =	simm.s32 $0xD080  }
0x86: {  	[hbm4b:s5+s2] =	stream.indirect_vreg.scatter [tilespmem:s9], [sflag:$0x1], $0x80, v4, vm0, $0xb8;
	[tilespmem:$0x18080] =	vst v63  }
0x87: {  	_ = 	snop  }
0x88: {  	[hbm4b:s3+s2] =	stream.indirect_vreg.scatter [tilespmem:s10], [sflag:$0x1], $0x80, v3, vm0, $0xb8;
	[tilespmem:$0x18080] =	vst v63  }
0x89: {  	_ = 	snop  }
0x8a: {  	[hbm4b:s4+s2] =	stream.indirect_vreg.scatter [tilespmem:s11], [sflag:$0x1], $0x80, v3, vm0, $0xb8;
	[tilespmem:$0x18080] =	vst v63  }
0x8b: {  	_ = 	snop  }
0x8c: {  	[hbm4b:s5+s2] =	stream.indirect_vreg.scatter [tilespmem:s12], [sflag:$0x1], $0x80, v3, vm0, $0xb8;
	[tilespmem:$0x18080] =	vst v63  }
0x8d: {  	v3 =	vld [tilespmem:$0x50];
	_ =	sdelay $0x4  }
0x8e: {  	v61 =	vshrl.u32 v3, $0x3  }
0x8f: {  	v4 =	vmul.u32 $0x30, v61  }
0x90: {  	v3 =	vand.u32 $0x7, v3  }
0x91: {  	v3 =	vor.u32 v3, v4  }
0x92: {  	v4 =	vperm.xlane v3, v0;
	_ =	sdelay $0x1  }
0x93: {  	v4 =	vadd.s32 v1, v4;
	_ =	sdelay $0x3  }
0x94: {  	v3 =	vperm.xlane v3, v2  }
0x95: {  	[hbm4b:s3+s2] =	stream.indirect_vreg.scatter [tilespmem:s13], [sflag:$0x1], $0x80, v4, vm0, $0xb8;
	[tilespmem:$0x18080] =	vst v63  }
0x96: {  	v3 =	vadd.s32 v1, v3  }
0x97: {  	[hbm4b:s4+s2] =	stream.indirect_vreg.scatter [tilespmem:s14], [sflag:$0x1], $0x80, v4, vm0, $0xb8;
	[tilespmem:$0x18080] =	vst v63  }
0x98: {  	_ = 	snop  }
0x99: {  	[hbm4b:s5+s2] =	stream.indirect_vreg.scatter [tilespmem:s15], [sflag:$0x1], $0x80, v4, vm0, $0xb8;
	[tilespmem:$0x18080] =	vst v63  }
0x9a: {  	_ = 	snop  }
0x9b: {  	[hbm4b:s3+s2] =	stream.indirect_vreg.scatter [tilespmem:s16], [sflag:$0x1], $0x80, v3, vm0, $0xb8;
	[tilespmem:$0x18080] =	vst v63  }
0x9c: {  	_ = 	snop  }
0x9d: {  	[hbm4b:s4+s2] =	stream.indirect_vreg.scatter [tilespmem:s17], [sflag:$0x1], $0x80, v3, vm0, $0xb8;
	[tilespmem:$0x18080] =	vst v63  }
0x9e: {  	_ = 	snop  }
0x9f: {  	[hbm4b:s5+s2] =	stream.indirect_vreg.scatter [tilespmem:s18], [sflag:$0x1], $0x80, v3, vm0, $0xb8;
	[tilespmem:$0x18080] =	vst v63  }
0xa0: {  	v3 =	vld [tilespmem:$0x60];
	_ =	sdelay $0x4  }
0xa1: {  	v62 =	vshrl.u32 v3, $0x3  }
0xa2: {  	v4 =	vmul.u32 $0x30, v62  }
0xa3: {  	v3 =	vand.u32 $0x7, v3  }
0xa4: {  	v3 =	vor.u32 v3, v4  }
0xa5: {  	v4 =	vperm.xlane v3, v0;
	_ =	sdelay $0x1  }
0xa6: {  	v4 =	vadd.s32 v1, v4;
	_ =	sdelay $0x3  }
0xa7: {  	v3 =	vperm.xlane v3, v2  }
0xa8: {  	[hbm4b:s3+s2] =	stream.indirect_vreg.scatter [tilespmem:s19], [sflag:$0x1], $0x80, v4, vm0, $0xb8;
	[tilespmem:$0x18080] =	vst v63  }
0xa9: {  	v3 =	vadd.s32 v1, v3  }
0xaa: {  	[hbm4b:s4+s2] =	stream.indirect_vreg.scatter [tilespmem:s20], [sflag:$0x1], $0x80, v4, vm0, $0xb8;
	[tilespmem:$0x18080] =	vst v63  }
0xab: {  	_ = 	snop  }
0xac: {  	[hbm4b:s5+s2] =	stream.indirect_vreg.scatter [tilespmem:s21], [sflag:$0x1], $0x80, v4, vm0, $0xb8;
	[tilespmem:$0x18080] =	vst v63  }
0xad: {  	_ = 	snop  }
0xae: {  	[hbm4b:s3+s2] =	stream.indirect_vreg.scatter [tilespmem:s22], [sflag:$0x1], $0x80, v3, vm0, $0xb8;
	[tilespmem:$0x18080] =	vst v63  }
0xaf: {  	_ = 	snop  }
0xb0: {  	[hbm4b:s4+s2] =	stream.indirect_vreg.scatter [tilespmem:s23], [sflag:$0x1], $0x80, v3, vm0, $0xb8;
	[tilespmem:$0x18080] =	vst v63  }
0xb1: {  	_ = 	snop  }
0xb2: {  	[hbm4b:s5+s2] =	stream.indirect_vreg.scatter [tilespmem:s24], [sflag:$0x1], $0x80, v3, vm0, $0xb8;
	[tilespmem:$0x18080] =	vst v63  }
0xb3: {  	v3 =	vld [tilespmem:$0x70];
	_ =	sdelay $0x4  }
0xb4: {  	v63 =	vshrl.u32 v3, $0x3  }
0xb5: {  	v4 =	vmul.u32 $0x30, v63  }
0xb6: {  	v3 =	vand.u32 $0x7, v3  }
0xb7: {  	v3 =	vor.u32 v3, v4  }
0xb8: {  	v4 =	vperm.xlane v3, v0;
	_ =	sdelay $0x1  }
0xb9: {  	v4 =	vadd.s32 v1, v4;
	_ =	sdelay $0x3  }
0xba: {  	v3 =	vperm.xlane v3, v2  }
0xbb: {  	[hbm4b:s3+s2] =	stream.indirect_vreg.scatter [tilespmem:s25], [sflag:$0x1], $0x80, v4, vm0, $0xb8;
	[tilespmem:$0x18080] =	vst v63  }
0xbc: {  	v3 =	vadd.s32 v1, v3  }
0xbd: {  	[hbm4b:s4+s2] =	stream.indirect_vreg.scatter [tilespmem:s26], [sflag:$0x1], $0x80, v4, vm0, $0xb8;
	[tilespmem:$0x18080] =	vst v63  }
0xbe: {  	_ = 	snop  }
0xbf: {  	[hbm4b:s5+s2] =	stream.indirect_vreg.scatter [tilespmem:s28], [sflag:$0x1], $0x80, v4, vm0, $0xb8;
	[tilespmem:$0x18080] =	vst v63  }
0xc0: {  	_ = 	snop  }
0xc1: {  	[hbm4b:s3+s2] =	stream.indirect_vreg.scatter [tilespmem:s29], [sflag:$0x1], $0x80, v3, vm0, $0xb8;
	[tilespmem:$0x18080] =	vst v63  }
0xc2: {  	p0 =	sne.s32 s6, $0x1  }
0xc3: {  	[hbm4b:s4+s2] =	stream.indirect_vreg.scatter [tilespmem:s30], [sflag:$0x1], $0x80, v3, vm0, $0xb8;
	[tilespmem:$0x18080] =	vst v63  }
.Ltmp0:
0xc4: {  	_ = 	snop;
	(pc) =	sbr.rel @p0 .LBB2_1-.Ltmp0, $4  }
0xc5: {  	[hbm4b:s5+s2] =	stream.indirect_vreg.scatter [tilespmem:s31], [sflag:$0x1], $0x80, v3, vm0, $0xb8;
	[tilespmem:$0x18080] =	vst v63  }
0xc6: {  	_ =	swait.ge [sflag:s1], $0x18000  }
0xc7: {  	[sflag:s1] =	ssyncset.done $0x0  }
0xc8: {  	s6 =	sadd.s32 $0xFFFFFFFF, s6;
	[sflag:s1] =	ssyncadd.s32 $0xFFFE8000  }
0xc9: {  	_ =	sfence.sel $0x180000  }
0xca: {  	[bflag:$0x0] =	sbarrier.arrive $0xFFFF  }
0xcb: {  	_ =	strace $0x90000047  }
0xcc: {  	s0 =	stileid.u32;
	[bflag:$0x2] =	sbarrier.arrive $0xFFFF  }
0xcd: {  	p0 =	sne.s32 s0, $0x0;
	s0 =	rddreg [dreg:$0x2]  }
0xce: {  	s0 =	sadd.s32 @!p0 $0x100000, s0  }
0xcf: {  	[sflag:s0] =	ssyncadd.tile.s32 @!p0 $0x1;
	_ =	shalt  }
.Lfunc_end2:
_tile_overlayer_lowered:
.L_overlay_start_2:
0xd0: {  	(tag) =	ssettag $0x2  }
0xd1: {  	s0 =	rddreg [dreg:$0x0];
	s2 =	stileid.u32  }
0xd2: {  	s1 =	rddreg [dreg:$0x1];
	p0 =	sne.s32 s2, $0x0  }
0xd3: {  	s3 =	rddreg [dreg:$0x2];
	[bflag:$0x3] =	sbarrier.arrive $0xFFFF;
	s2 =	simm.s32 @!p0 $0x1C02  }
0xd4: {  	[timem:s3], [sflag:s2] =	dma.local @!p0 [hbm:s0], s1  }
0xd5: {  	s0 =	simm.s32 @!p0 $0x2  }
0xd6: {  	_ =	swait.ge @!p0 [sflag:s0], s1  }
0xd7: {  	s1 =	ssub.s32 @!p0 $0x0, s1;
	[sflag:s0] =	ssyncset.done @!p0 $0x0  }
0xd8: {  	[sflag:s0] =	ssyncadd.s32 @!p0 s1  }
0xd9: {  	[bflag:$0x3] =	sbarrier.arrive $0xFFFF  }
0xda: {  	_ =	shalt  }

</sc_bundles>
